<compile_context>
chip_gen: v7x
topology: tpu7x:2x2x1
jax: 0.10.2.dev20260603
libtpu: 0.0.44.dev20260713+nightly
codegen_flags: <defaults>
</compile_context>

<pallas_src>
import functools

import jax
import jax.numpy as jnp
from jax import lax
from jax.experimental import pallas as pl
from jax.experimental.pallas import tpu as pltpu
import jax.experimental.pallas.tpu_sc as plsc

NC, NS = 2, 16
NT = NC * NS
EB = 128
DW = 128
NCH = 40


def _ceil_to(a, m):
    return -(-a // m) * m



def _deg_body(np_, nb, dst_hbm, deg_hbm, idx_v, buf_v, acc_sh):
    rows_per_tile = np_ // NS
    cid = lax.axis_index("c")
    sid = lax.axis_index("s")
    wid = sid * NC + cid

    def _fill(val):
        def body(i, _):
            for c in range(DW // 16):
                buf_v[i, pl.ds(c * 16, 16)] = jnp.full((16,), val, jnp.float32)
            return 0
        lax.fori_loop(0, EB, body, 0)

    _fill(0.0)
    for k in range(rows_per_tile // EB):
        pltpu.sync_copy(buf_v, acc_sh.at[pl.ds(sid * rows_per_tile + k * EB, EB)])
    _fill(1.0)
    pltpu.sync_copy(dst_hbm.at[wid], idx_v)
    plsc.subcore_barrier()

    def scat(j, _):
        pltpu.sync_copy(buf_v, acc_sh.at[idx_v.at[j]], add=True)
        return 0
    lax.fori_loop(0, nb, scat, 0)
    plsc.subcore_barrier()
    pltpu.sync_copy(acc_sh.at[pl.ds(sid * rows_per_tile, rows_per_tile)],
                    deg_hbm.at[cid, pl.ds(sid * rows_per_tile, rows_per_tile)])


def _scat_body(np_, nb, d, src_hbm, dst_hbm, tab_hbm, out_hbm,
               sidx_v, didx_v, rows_a, rows_b, acc_sh, sem_a, sem_b):
    rows_per_tile = np_ // NS
    cid = lax.axis_index("c")
    sid = lax.axis_index("s")
    wid = sid * NC + cid

    def zbody(i, _):
        r = i // (d // 16)
        c = i % (d // 16)
        rows_a[r, pl.ds(c * 16, 16)] = jnp.zeros((16,), jnp.float32)
        return 0
    lax.fori_loop(0, EB * (d // 16), zbody, 0)
    for k in range(rows_per_tile // EB):
        pltpu.sync_copy(rows_a, acc_sh.at[pl.ds(sid * rows_per_tile + k * EB, EB)])

    plsc.subcore_barrier()

    def chunk(c, _):
        pltpu.sync_copy(src_hbm.at[wid, pl.ds(c * NCH, NCH)], sidx_v)
        pltpu.sync_copy(dst_hbm.at[wid, pl.ds(c * NCH, NCH)], didx_v)
        pltpu.async_copy(tab_hbm.at[sidx_v.at[0]], rows_a, sem_a)

        def step(g, _):
            pltpu.async_copy(tab_hbm.at[sidx_v.at[2 * g + 1]], rows_b, sem_b)
            pltpu.make_async_copy(tab_hbm.at[sidx_v.at[2 * g]], rows_a,
                                  sem_a).wait()
            pltpu.sync_copy(rows_a, acc_sh.at[didx_v.at[2 * g]], add=True)

            @pl.when(g < NCH // 2 - 1)
            def _():
                pltpu.async_copy(tab_hbm.at[sidx_v.at[2 * g + 2]], rows_a,
                                 sem_a)

            pltpu.make_async_copy(tab_hbm.at[sidx_v.at[2 * g + 1]], rows_b,
                                  sem_b).wait()
            pltpu.sync_copy(rows_b, acc_sh.at[didx_v.at[2 * g + 1]], add=True)
            return 0
        lax.fori_loop(0, NCH // 2, step, 0)
        return 0
    lax.fori_loop(0, nb // NCH, chunk, 0)

    plsc.subcore_barrier()
    pltpu.sync_copy(acc_sh.at[pl.ds(sid * rows_per_tile, rows_per_tile)],
                    out_hbm.at[cid, pl.ds(sid * rows_per_tile, rows_per_tile)])


def _make_sc_kernels(np_, nb, d):
    mesh = plsc.VectorSubcoreMesh(core_axis_name="c", subcore_axis_name="s",
                                  num_cores=NC, num_subcores=NS)
    deg = pl.kernel(
        functools.partial(_deg_body, np_, nb),
        out_type=jax.ShapeDtypeStruct((NC, np_, DW), jnp.float32),
        mesh=mesh,
        scratch_types=[
            pltpu.VMEM((nb, EB), jnp.int32),
            pltpu.VMEM((EB, DW), jnp.float32),
            pltpu.VMEM_SHARED((np_, DW), jnp.float32),
        ],
    )
    scat = pl.kernel(
        functools.partial(_scat_body, np_, nb, d),
        out_type=jax.ShapeDtypeStruct((NC, np_, d), jnp.float32),
        mesh=mesh,
        scratch_types=[
            pltpu.VMEM((NCH, EB), jnp.int32),
            pltpu.VMEM((NCH, EB), jnp.int32),
            pltpu.VMEM((EB, d), jnp.float32),
            pltpu.VMEM((EB, d), jnp.float32),
            pltpu.VMEM_SHARED((np_, d), jnp.float32),
            pltpu.SemaphoreType.DMA,
            pltpu.SemaphoreType.DMA,
        ],
    )
    return deg, scat



_R = 512


def _mm1_body(x_ref, w1t_ref, b1_ref, wc0t_ref, g0_ref):
    h = jnp.maximum(
        jnp.dot(x_ref[...], w1t_ref[...], preferred_element_type=jnp.float32)
        + b1_ref[...], 0.0)
    g0_ref[...] = jnp.dot(h, wc0t_ref[...], preferred_element_type=jnp.float32)


def _norm_body(n, dp0_ref, dp1_ref, g0_ref, dinvb_ref, g0p_ref):
    deg = dp0_ref[0, :, 0:1] + dp1_ref[0, :, 0:1]
    rows = lax.broadcasted_iota(jnp.int32, (_R, 1), 0) + pl.program_id(0) * _R
    dinv = jnp.where(rows < n, lax.rsqrt(deg + 1.0), 0.0)
    dinvb = jnp.broadcast_to(dinv, (_R, g0_ref.shape[1]))
    dinvb_ref[...] = dinvb
    g0p_ref[...] = dinvb * g0_ref[...]


def _layer_body(p0_ref, p1_ref, gp_ref, dinvb_ref, bc_ref, wt_ref, out_ref):
    dinvb = dinvb_ref[...]
    h = dinvb * (p0_ref[0] + p1_ref[0] + gp_ref[...]) + bc_ref[...]
    out_ref[...] = dinvb * jnp.dot(h, wt_ref[...],
                                   preferred_element_type=jnp.float32)


def _final_body(p0_ref, p1_ref, gp_ref, dinvb_ref, bc_ref, w2t_ref, b2_ref,
                y_ref):
    h = dinvb_ref[...] * (p0_ref[0] + p1_ref[0] + gp_ref[...]) + bc_ref[...]
    y_ref[...] = jnp.dot(h, w2t_ref[...],
                         preferred_element_type=jnp.float32) + b2_ref[...]


def _row_spec(d):
    return pl.BlockSpec((_R, d), lambda i: (i, 0))


def _part_spec(np_, d):
    del np_
    return [pl.BlockSpec((1, _R, d), lambda i: (0, i, 0)),
            pl.BlockSpec((1, _R, d), lambda i: (1, i, 0))]


def _w_spec(d):
    return pl.BlockSpec((d, d), lambda i: (0, 0))


def _b_spec(d):
    return pl.BlockSpec((1, d), lambda i: (0, 0))



def kernel(x, edge_index, W1, b1, Wc0, bc0, Wc1, bc1, W2, b2):
    n, d = x.shape
    e = edge_index.shape[1]
    np_ = _ceil_to(n + 1, 2048)
    ep = _ceil_to(e, NT * EB * NCH)
    nb = ep // (NT * EB)

    ei = edge_index.astype(jnp.int32)
    padv = jnp.full((ep - e,), n, jnp.int32)
    src3 = jnp.concatenate([ei[0], padv]).reshape(NT, nb, EB)
    dst3 = jnp.concatenate([ei[1], padv]).reshape(NT, nb, EB)
    x_p = jnp.pad(x, ((0, np_ - n), (0, 0)))

    deg_call, scat_call = _make_sc_kernels(np_, nb, d)
    grid = (np_ // _R,)

    mm1 = pl.pallas_call(
        _mm1_body, grid=grid,
        in_specs=[_row_spec(d), _w_spec(d), _b_spec(d), _w_spec(d)],
        out_specs=_row_spec(d),
        out_shape=jax.ShapeDtypeStruct((np_, d), jnp.float32))
    norm = pl.pallas_call(
        functools.partial(_norm_body, n), grid=grid,
        in_specs=_part_spec(np_, DW) + [_row_spec(d)],
        out_specs=[_row_spec(d), _row_spec(d)],
        out_shape=[jax.ShapeDtypeStruct((np_, d), jnp.float32),
                   jax.ShapeDtypeStruct((np_, d), jnp.float32)])
    layer = pl.pallas_call(
        _layer_body, grid=grid,
        in_specs=_part_spec(np_, d) + [_row_spec(d), _row_spec(d),
                                       _b_spec(d), _w_spec(d)],
        out_specs=_row_spec(d),
        out_shape=jax.ShapeDtypeStruct((np_, d), jnp.float32))
    final = pl.pallas_call(
        _final_body, grid=grid,
        in_specs=_part_spec(np_, d) + [_row_spec(d), _row_spec(d),
                                       _b_spec(d), _w_spec(d), _b_spec(d)],
        out_specs=_row_spec(d),
        out_shape=jax.ShapeDtypeStruct((np_, d), jnp.float32))

    deg_p = deg_call(dst3)
    g0 = mm1(x_p, W1.T, b1.reshape(1, d), Wc0.T)
    dinvb, g0p = norm(deg_p, deg_p, g0)
    s0 = scat_call(src3, dst3, g0p)
    g1p = layer(s0, s0, g0p, dinvb, bc0.reshape(1, d), Wc1.T)
    s1 = scat_call(src3, dst3, g1p)
    y = final(s1, s1, g1p, dinvb, bc1.reshape(1, d), W2.T, b2.reshape(1, d))
    return y[:n]

# --- scband reference (transcript-rebuilt; emitter-appended) ---
"""Pipeline reference for scband-gcn-23407571763562 (READ-ONLY COPY).

The authoritative reference and input builder live on the scoring server;
editing this copy changes nothing except your own understanding.
"""

import jax, jax.numpy as jnp
import numpy as np

N = 10000
E = 320000
D_IN = 128
D_H = 128
D_OUT = 128


def setup_inputs(seed: int = 0) -> dict:
    key = jax.random.key(seed)
    ks = jax.random.split(key, 10)
    x = jax.random.normal(ks[0], (N, D_IN), dtype=jnp.float32)
    edge_index = jax.random.randint(ks[1], (2, E), 0, N).astype(jnp.int64)
    s = 0.05
    W1 = jax.random.normal(ks[2], (D_H, D_IN), dtype=jnp.float32) * s
    b1 = jnp.zeros((D_H,), dtype=jnp.float32)
    Wc0 = jax.random.normal(ks[3], (D_H, D_H), dtype=jnp.float32) * s
    bc0 = jnp.zeros((D_H,), dtype=jnp.float32)
    Wc1 = jax.random.normal(ks[4], (D_H, D_H), dtype=jnp.float32) * s
    bc1 = jnp.zeros((D_H,), dtype=jnp.float32)
    W2 = jax.random.normal(ks[5], (D_OUT, D_H), dtype=jnp.float32) * s
    b2 = jnp.zeros((D_OUT,), dtype=jnp.float32)
    return {"x": x, "edge_index": edge_index, "W1": W1, "b1": b1,
            "Wc0": Wc0, "bc0": bc0, "Wc1": Wc1, "bc1": bc1,
            "W2": W2, "b2": b2}


def _gcn_conv(x, edge_index, W, b):
    # Faithful GCNConv (add self-loops, symmetric normalization, aggr='add')
    n = x.shape[0]
    loops = jnp.arange(n, dtype=edge_index.dtype)
    src = jnp.concatenate([edge_index[0], loops])
    dst = jnp.concatenate([edge_index[1], loops])
    ones = jnp.ones(src.shape[0], dtype=x.dtype)
    deg = jax.ops.segment_sum(ones, dst, num_segments=n)
    dinv = jnp.where(deg > 0, deg ** -0.5, 0.0)
    norm = dinv[src] * dinv[dst]
    h = x @ W.T
    msg = h[src] * norm[:, None]
    out = jax.ops.segment_sum(msg, dst, num_segments=n)
    return out + b


def reference(x, edge_index, W1, b1, Wc0, bc0, Wc1, bc1, W2, b2):
    h = jax.nn.relu(x @ W1.T + b1)          # dnn1: Linear + ReLU
    h = _gcn_conv(h, edge_index, Wc0, bc0)   # conv layer 0
    h = _gcn_conv(h, edge_index, Wc1, bc1)   # conv layer 1
    out = h @ W2.T + b2                      # dnn2: Linear
    return out

if __name__ == "__main__":
    import jax
    _d = setup_inputs()
    print(jax.jit(kernel)(*tuple(_d.values())))

</pallas_src>

<mosaic_0001>
#map = affine_map<(d0, d1) -> (0, 0, 0)>
module attributes {stable_mosaic.version = 14 : i64} {
  func.func @_deg_body(%arg0: i32, %arg1: i32, %arg2: memref<32x80x128xi32, #tpu.memory_space<hbm>>, %arg3: memref<2x10240x128xf32, #tpu.memory_space<hbm>>, %arg4: memref<80x128xi32, #tpu.memory_space<vmem>>, %arg5: memref<128x128xf32, #tpu.memory_space<vmem>>, %arg6: memref<10240x128xf32, #tpu.memory_space<vmem_shared>>) attributes {dimension_semantics = [#tpu.dimension_semantics<core_parallel>, #tpu.dimension_semantics<subcore_parallel>], iteration_bounds = array<i64: 2, 16>, scalar_prefetch = 0 : i64, scratch_operands = 3 : i64, tpu.core_type = #tpu.core_type<sc_vector_subcore>, window_params = [{transform_indices = #map}, {transform_indices = #map}]} {
    %mul3A = arith.constant 2 : i32
    %mul3A_0 = arith.muli %arg1, %mul3A : i32
    %add3A = arith.addi %mul3A_0, %arg0 : i32
    %scan3A = arith.constant 0 : i32
    %scan3A_1 = arith.constant 0 : i32
    %scan3A_2 = arith.constant 128 : i32
    %scan3A_3 = arith.addi %scan3A_1, %scan3A_2 : i32
    %scan3A_4 = arith.constant 1 : i32
    %scan3A_5 = scf.for %scan3A_46 = %scan3A_1 to %scan3A_3 step %scan3A_4 iter_args(%scan3A_47 = %scan3A) -> (i32)  : i32 {
      %broadcast_in_dim3A = arith.constant 0.000000e+00 : f32
      %broadcast_in_dim3A_48 = vector.broadcast %broadcast_in_dim3A : f32 to vector<16xf32>
      %swap3A = arith.index_cast %scan3A_46 : i32 to index
      %swap3A_49 = arith.constant 0 : index
      %swap3A_50 = tpu.vector_load %arg5[%swap3A, %swap3A_49] {strides = array<i32>} : memref<128x128xf32, #tpu.memory_space<vmem>>, vector<1x16xf32>,
      %swap3A_51 = vector.shape_cast %swap3A_50 : vector<1x16xf32> to vector<16xf32>
      %swap3A_52 = vector.shape_cast %broadcast_in_dim3A_48 : vector<16xf32> to vector<1x16xf32>
      tpu.vector_store %arg5[%swap3A, %swap3A_49], %swap3A_52 {strides = array<i32>} : memref<128x128xf32, #tpu.memory_space<vmem>>, vector<1x16xf32>,
      %broadcast_in_dim3A_53 = arith.constant 0.000000e+00 : f32
      %broadcast_in_dim3A_54 = vector.broadcast %broadcast_in_dim3A_53 : f32 to vector<16xf32>
      %swap3A_55 = arith.index_cast %scan3A_46 : i32 to index
      %swap3A_56 = arith.constant 16 : index
      %swap3A_57 = tpu.vector_load %arg5[%swap3A_55, %swap3A_56] {strides = array<i32>} : memref<128x128xf32, #tpu.memory_space<vmem>>, vector<1x16xf32>,
      %swap3A_58 = vector.shape_cast %swap3A_57 : vector<1x16xf32> to vector<16xf32>
      %swap3A_59 = vector.shape_cast %broadcast_in_dim3A_54 : vector<16xf32> to vector<1x16xf32>
      tpu.vector_store %arg5[%swap3A_55, %swap3A_56], %swap3A_59 {strides = array<i32>} : memref<128x128xf32, #tpu.memory_space<vmem>>, vector<1x16xf32>,
      %broadcast_in_dim3A_60 = arith.constant 0.000000e+00 : f32
      %broadcast_in_dim3A_61 = vector.broadcast %broadcast_in_dim3A_60 : f32 to vector<16xf32>
      %swap3A_62 = arith.index_cast %scan3A_46 : i32 to index
      %swap3A_63 = arith.constant 32 : index
      %swap3A_64 = tpu.vector_load %arg5[%swap3A_62, %swap3A_63] {strides = array<i32>} : memref<128x128xf32, #tpu.memory_space<vmem>>, vector<1x16xf32>,
      %swap3A_65 = vector.shape_cast %swap3A_64 : vector<1x16xf32> to vector<16xf32>
      %swap3A_66 = vector.shape_cast %broadcast_in_dim3A_61 : vector<16xf32> to vector<1x16xf32>
      tpu.vector_store %arg5[%swap3A_62, %swap3A_63], %swap3A_66 {strides = array<i32>} : memref<128x128xf32, #tpu.memory_space<vmem>>, vector<1x16xf32>,
      %broadcast_in_dim3A_67 = arith.constant 0.000000e+00 : f32
      %broadcast_in_dim3A_68 = vector.broadcast %broadcast_in_dim3A_67 : f32 to vector<16xf32>
      %swap3A_69 = arith.index_cast %scan3A_46 : i32 to index
      %swap3A_70 = arith.constant 48 : index
      %swap3A_71 = tpu.vector_load %arg5[%swap3A_69, %swap3A_70] {strides = array<i32>} : memref<128x128xf32, #tpu.memory_space<vmem>>, vector<1x16xf32>,
      %swap3A_72 = vector.shape_cast %swap3A_71 : vector<1x16xf32> to vector<16xf32>
      %swap3A_73 = vector.shape_cast %broadcast_in_dim3A_68 : vector<16xf32> to vector<1x16xf32>
      tpu.vector_store %arg5[%swap3A_69, %swap3A_70], %swap3A_73 {strides = array<i32>} : memref<128x128xf32, #tpu.memory_space<vmem>>, vector<1x16xf32>,
      %broadcast_in_dim3A_74 = arith.constant 0.000000e+00 : f32
      %broadcast_in_dim3A_75 = vector.broadcast %broadcast_in_dim3A_74 : f32 to vector<16xf32>
      %swap3A_76 = arith.index_cast %scan3A_46 : i32 to index
      %swap3A_77 = arith.constant 64 : index
      %swap3A_78 = tpu.vector_load %arg5[%swap3A_76, %swap3A_77] {strides = array<i32>} : memref<128x128xf32, #tpu.memory_space<vmem>>, vector<1x16xf32>,
      %swap3A_79 = vector.shape_cast %swap3A_78 : vector<1x16xf32> to vector<16xf32>
      %swap3A_80 = vector.shape_cast %broadcast_in_dim3A_75 : vector<16xf32> to vector<1x16xf32>
      tpu.vector_store %arg5[%swap3A_76, %swap3A_77], %swap3A_80 {strides = array<i32>} : memref<128x128xf32, #tpu.memory_space<vmem>>, vector<1x16xf32>,
      %broadcast_in_dim3A_81 = arith.constant 0.000000e+00 : f32
      %broadcast_in_dim3A_82 = vector.broadcast %broadcast_in_dim3A_81 : f32 to vector<16xf32>
      %swap3A_83 = arith.index_cast %scan3A_46 : i32 to index
      %swap3A_84 = arith.constant 80 : index
      %swap3A_85 = tpu.vector_load %arg5[%swap3A_83, %swap3A_84] {strides = array<i32>} : memref<128x128xf32, #tpu.memory_space<vmem>>, vector<1x16xf32>,
      %swap3A_86 = vector.shape_cast %swap3A_85 : vector<1x16xf32> to vector<16xf32>
      %swap3A_87 = vector.shape_cast %broadcast_in_dim3A_82 : vector<16xf32> to vector<1x16xf32>
      tpu.vector_store %arg5[%swap3A_83, %swap3A_84], %swap3A_87 {strides = array<i32>} : memref<128x128xf32, #tpu.memory_space<vmem>>, vector<1x16xf32>,
      %broadcast_in_dim3A_88 = arith.constant 0.000000e+00 : f32
      %broadcast_in_dim3A_89 = vector.broadcast %broadcast_in_dim3A_88 : f32 to vector<16xf32>
      %swap3A_90 = arith.index_cast %scan3A_46 : i32 to index
      %swap3A_91 = arith.constant 96 : index
      %swap3A_92 = tpu.vector_load %arg5[%swap3A_90, %swap3A_91] {strides = array<i32>} : memref<128x128xf32, #tpu.memory_space<vmem>>, vector<1x16xf32>,
      %swap3A_93 = vector.shape_cast %swap3A_92 : vector<1x16xf32> to vector<16xf32>
      %swap3A_94 = vector.shape_cast %broadcast_in_dim3A_89 : vector<16xf32> to vector<1x16xf32>
      tpu.vector_store %arg5[%swap3A_90, %swap3A_91], %swap3A_94 {strides = array<i32>} : memref<128x128xf32, #tpu.memory_space<vmem>>, vector<1x16xf32>,
      %broadcast_in_dim3A_95 = arith.constant 0.000000e+00 : f32
      %broadcast_in_dim3A_96 = vector.broadcast %broadcast_in_dim3A_95 : f32 to vector<16xf32>
      %swap3A_97 = arith.index_cast %scan3A_46 : i32 to index
      %swap3A_98 = arith.constant 112 : index
      %swap3A_99 = tpu.vector_load %arg5[%swap3A_97, %swap3A_98] {strides = array<i32>} : memref<128x128xf32, #tpu.memory_space<vmem>>, vector<1x16xf32>,
      %swap3A_100 = vector.shape_cast %swap3A_99 : vector<1x16xf32> to vector<16xf32>
      %swap3A_101 = vector.shape_cast %broadcast_in_dim3A_96 : vector<16xf32> to vector<1x16xf32>
      tpu.vector_store %arg5[%swap3A_97, %swap3A_98], %swap3A_101 {strides = array<i32>} : memref<128x128xf32, #tpu.memory_space<vmem>>, vector<1x16xf32>,
      %scan3A_102 = arith.constant 0 : i32
      scf.yield %scan3A_102 : i32
    }
    %scan3A_6 = arith.constant 128 : i32
    %mul3A_7 = arith.constant 640 : i32
    %mul3A_8 = arith.muli %arg1, %mul3A_7 : i32
    %add3A_9 = arith.constant 0 : i32
    %add3A_10 = arith.addi %mul3A_8, %add3A_9 : i32
    "tpu.region"() ({
      %run_scoped3A = tpu.sem_alloc : memref<!tpu.dma_semaphore, #tpu.memory_space<semaphore_mem>>
      %dma_start3A = arith.constant 0 : i32
      %dma_start3A_46 = tpu.memref_slice %arg6[%add3A_10, %dma_start3A] : memref<10240x128xf32, #tpu.memory_space<vmem_shared>> -> memref<128x128xf32, #tpu.memory_space<vmem_shared>>
      %dma_start3A_47 = arith.constant 0 : i32
      %dma_start3A_48 = tpu.memref_slice %arg6[%add3A_10, %dma_start3A_47] : memref<10240x128xf32, #tpu.memory_space<vmem_shared>> -> memref<128x128xf32, #tpu.memory_space<vmem_shared>>
      tpu.enqueue_dma source(%arg5 : memref<128x128xf32, #tpu.memory_space<vmem>>) target(%dma_start3A_48 : memref<128x128xf32, #tpu.memory_space<vmem_shared>>) target_semaphore(%run_scoped3A : memref<!tpu.dma_semaphore, #tpu.memory_space<semaphore_mem>>)
      %dma_wait3A = arith.constant 0 : i32
      %dma_wait3A_49 = tpu.memref_slice %arg6[%add3A_10, %dma_wait3A] : memref<10240x128xf32, #tpu.memory_space<vmem_shared>> -> memref<128x128xf32, #tpu.memory_space<vmem_shared>>
      %dma_wait3A_50 = arith.constant 0 : i32
      %dma_wait3A_51 = tpu.memref_slice %arg6[%add3A_10, %dma_wait3A_50] : memref<10240x128xf32, #tpu.memory_space<vmem_shared>> -> memref<128x128xf32, #tpu.memory_space<vmem_shared>>
      tpu.wait_dma2 semaphore(%run_scoped3A : memref<!tpu.dma_semaphore, #tpu.memory_space<semaphore_mem>>) src(%arg5 : memref<128x128xf32, #tpu.memory_space<vmem>>) dst(%dma_wait3A_51 : memref<128x128xf32, #tpu.memory_space<vmem_shared>>)
      tpu.yield
    }) : () -> ()
    %mul3A_11 = arith.constant 640 : i32
    %mul3A_12 = arith.muli %arg1, %mul3A_11 : i32
    %add3A_13 = arith.constant 128 : i32
    %add3A_14 = arith.addi %mul3A_12, %add3A_13 : i32
    "tpu.region"() ({
      %run_scoped3A = tpu.sem_alloc : memref<!tpu.dma_semaphore, #tpu.memory_space<semaphore_mem>>
      %dma_start3A = arith.constant 0 : i32
      %dma_start3A_46 = tpu.memref_slice %arg6[%add3A_14, %dma_start3A] : memref<10240x128xf32, #tpu.memory_space<vmem_shared>> -> memref<128x128xf32, #tpu.memory_space<vmem_shared>>
      %dma_start3A_47 = arith.constant 0 : i32
      %dma_start3A_48 = tpu.memref_slice %arg6[%add3A_14, %dma_start3A_47] : memref<10240x128xf32, #tpu.memory_space<vmem_shared>> -> memref<128x128xf32, #tpu.memory_space<vmem_shared>>
      tpu.enqueue_dma source(%arg5 : memref<128x128xf32, #tpu.memory_space<vmem>>) target(%dma_start3A_48 : memref<128x128xf32, #tpu.memory_space<vmem_shared>>) target_semaphore(%run_scoped3A : memref<!tpu.dma_semaphore, #tpu.memory_space<semaphore_mem>>)
      %dma_wait3A = arith.constant 0 : i32
      %dma_wait3A_49 = tpu.memref_slice %arg6[%add3A_14, %dma_wait3A] : memref<10240x128xf32, #tpu.memory_space<vmem_shared>> -> memref<128x128xf32, #tpu.memory_space<vmem_shared>>
      %dma_wait3A_50 = arith.constant 0 : i32
      %dma_wait3A_51 = tpu.memref_slice %arg6[%add3A_14, %dma_wait3A_50] : memref<10240x128xf32, #tpu.memory_space<vmem_shared>> -> memref<128x128xf32, #tpu.memory_space<vmem_shared>>
      tpu.wait_dma2 semaphore(%run_scoped3A : memref<!tpu.dma_semaphore, #tpu.memory_space<semaphore_mem>>) src(%arg5 : memref<128x128xf32, #tpu.memory_space<vmem>>) dst(%dma_wait3A_51 : memref<128x128xf32, #tpu.memory_space<vmem_shared>>)
      tpu.yield
    }) : () -> ()
    %mul3A_15 = arith.constant 640 : i32
    %mul3A_16 = arith.muli %arg1, %mul3A_15 : i32
    %add3A_17 = arith.constant 256 : i32
    %add3A_18 = arith.addi %mul3A_16, %add3A_17 : i32
    "tpu.region"() ({
      %run_scoped3A = tpu.sem_alloc : memref<!tpu.dma_semaphore, #tpu.memory_space<semaphore_mem>>
      %dma_start3A = arith.constant 0 : i32
      %dma_start3A_46 = tpu.memref_slice %arg6[%add3A_18, %dma_start3A] : memref<10240x128xf32, #tpu.memory_space<vmem_shared>> -> memref<128x128xf32, #tpu.memory_space<vmem_shared>>
      %dma_start3A_47 = arith.constant 0 : i32
      %dma_start3A_48 = tpu.memref_slice %arg6[%add3A_18, %dma_start3A_47] : memref<10240x128xf32, #tpu.memory_space<vmem_shared>> -> memref<128x128xf32, #tpu.memory_space<vmem_shared>>
      tpu.enqueue_dma source(%arg5 : memref<128x128xf32, #tpu.memory_space<vmem>>) target(%dma_start3A_48 : memref<128x128xf32, #tpu.memory_space<vmem_shared>>) target_semaphore(%run_scoped3A : memref<!tpu.dma_semaphore, #tpu.memory_space<semaphore_mem>>)
      %dma_wait3A = arith.constant 0 : i32
      %dma_wait3A_49 = tpu.memref_slice %arg6[%add3A_18, %dma_wait3A] : memref<10240x128xf32, #tpu.memory_space<vmem_shared>> -> memref<128x128xf32, #tpu.memory_space<vmem_shared>>
      %dma_wait3A_50 = arith.constant 0 : i32
      %dma_wait3A_51 = tpu.memref_slice %arg6[%add3A_18, %dma_wait3A_50] : memref<10240x128xf32, #tpu.memory_space<vmem_shared>> -> memref<128x128xf32, #tpu.memory_space<vmem_shared>>
      tpu.wait_dma2 semaphore(%run_scoped3A : memref<!tpu.dma_semaphore, #tpu.memory_space<semaphore_mem>>) src(%arg5 : memref<128x128xf32, #tpu.memory_space<vmem>>) dst(%dma_wait3A_51 : memref<128x128xf32, #tpu.memory_space<vmem_shared>>)
      tpu.yield
    }) : () -> ()
    %mul3A_19 = arith.constant 640 : i32
    %mul3A_20 = arith.muli %arg1, %mul3A_19 : i32
    %add3A_21 = arith.constant 384 : i32
    %add3A_22 = arith.addi %mul3A_20, %add3A_21 : i32
    "tpu.region"() ({
      %run_scoped3A = tpu.sem_alloc : memref<!tpu.dma_semaphore, #tpu.memory_space<semaphore_mem>>
      %dma_start3A = arith.constant 0 : i32
      %dma_start3A_46 = tpu.memref_slice %arg6[%add3A_22, %dma_start3A] : memref<10240x128xf32, #tpu.memory_space<vmem_shared>> -> memref<128x128xf32, #tpu.memory_space<vmem_shared>>
      %dma_start3A_47 = arith.constant 0 : i32
      %dma_start3A_48 = tpu.memref_slice %arg6[%add3A_22, %dma_start3A_47] : memref<10240x128xf32, #tpu.memory_space<vmem_shared>> -> memref<128x128xf32, #tpu.memory_space<vmem_shared>>
      tpu.enqueue_dma source(%arg5 : memref<128x128xf32, #tpu.memory_space<vmem>>) target(%dma_start3A_48 : memref<128x128xf32, #tpu.memory_space<vmem_shared>>) target_semaphore(%run_scoped3A : memref<!tpu.dma_semaphore, #tpu.memory_space<semaphore_mem>>)
      %dma_wait3A = arith.constant 0 : i32
      %dma_wait3A_49 = tpu.memref_slice %arg6[%add3A_22, %dma_wait3A] : memref<10240x128xf32, #tpu.memory_space<vmem_shared>> -> memref<128x128xf32, #tpu.memory_space<vmem_shared>>
      %dma_wait3A_50 = arith.constant 0 : i32
      %dma_wait3A_51 = tpu.memref_slice %arg6[%add3A_22, %dma_wait3A_50] : memref<10240x128xf32, #tpu.memory_space<vmem_shared>> -> memref<128x128xf32, #tpu.memory_space<vmem_shared>>
      tpu.wait_dma2 semaphore(%run_scoped3A : memref<!tpu.dma_semaphore, #tpu.memory_space<semaphore_mem>>) src(%arg5 : memref<128x128xf32, #tpu.memory_space<vmem>>) dst(%dma_wait3A_51 : memref<128x128xf32, #tpu.memory_space<vmem_shared>>)
      tpu.yield
    }) : () -> ()
    %mul3A_23 = arith.constant 640 : i32
    %mul3A_24 = arith.muli %arg1, %mul3A_23 : i32
    %add3A_25 = arith.constant 512 : i32
    %add3A_26 = arith.addi %mul3A_24, %add3A_25 : i32
    "tpu.region"() ({
      %run_scoped3A = tpu.sem_alloc : memref<!tpu.dma_semaphore, #tpu.memory_space<semaphore_mem>>
      %dma_start3A = arith.constant 0 : i32
      %dma_start3A_46 = tpu.memref_slice %arg6[%add3A_26, %dma_start3A] : memref<10240x128xf32, #tpu.memory_space<vmem_shared>> -> memref<128x128xf32, #tpu.memory_space<vmem_shared>>
      %dma_start3A_47 = arith.constant 0 : i32
      %dma_start3A_48 = tpu.memref_slice %arg6[%add3A_26, %dma_start3A_47] : memref<10240x128xf32, #tpu.memory_space<vmem_shared>> -> memref<128x128xf32, #tpu.memory_space<vmem_shared>>
      tpu.enqueue_dma source(%arg5 : memref<128x128xf32, #tpu.memory_space<vmem>>) target(%dma_start3A_48 : memref<128x128xf32, #tpu.memory_space<vmem_shared>>) target_semaphore(%run_scoped3A : memref<!tpu.dma_semaphore, #tpu.memory_space<semaphore_mem>>)
      %dma_wait3A = arith.constant 0 : i32
      %dma_wait3A_49 = tpu.memref_slice %arg6[%add3A_26, %dma_wait3A] : memref<10240x128xf32, #tpu.memory_space<vmem_shared>> -> memref<128x128xf32, #tpu.memory_space<vmem_shared>>
      %dma_wait3A_50 = arith.constant 0 : i32
      %dma_wait3A_51 = tpu.memref_slice %arg6[%add3A_26, %dma_wait3A_50] : memref<10240x128xf32, #tpu.memory_space<vmem_shared>> -> memref<128x128xf32, #tpu.memory_space<vmem_shared>>
      tpu.wait_dma2 semaphore(%run_scoped3A : memref<!tpu.dma_semaphore, #tpu.memory_space<semaphore_mem>>) src(%arg5 : memref<128x128xf32, #tpu.memory_space<vmem>>) dst(%dma_wait3A_51 : memref<128x128xf32, #tpu.memory_space<vmem_shared>>)
      tpu.yield
    }) : () -> ()
    %scan3A_27 = arith.constant 0 : i32
    %scan3A_28 = arith.constant 0 : i32
    %scan3A_29 = arith.constant 128 : i32
    %scan3A_30 = arith.addi %scan3A_28, %scan3A_29 : i32
    %scan3A_31 = arith.constant 1 : i32
    %scan3A_32 = scf.for %scan3A_46 = %scan3A_28 to %scan3A_30 step %scan3A_31 iter_args(%scan3A_47 = %scan3A_27) -> (i32)  : i32 {
      %broadcast_in_dim3A = arith.constant 1.000000e+00 : f32
      %broadcast_in_dim3A_48 = vector.broadcast %broadcast_in_dim3A : f32 to vector<16xf32>
      %swap3A = arith.index_cast %scan3A_46 : i32 to index
      %swap3A_49 = arith.constant 0 : index
      %swap3A_50 = tpu.vector_load %arg5[%swap3A, %swap3A_49] {strides = array<i32>} : memref<128x128xf32, #tpu.memory_space<vmem>>, vector<1x16xf32>,
      %swap3A_51 = vector.shape_cast %swap3A_50 : vector<1x16xf32> to vector<16xf32>
      %swap3A_52 = vector.shape_cast %broadcast_in_dim3A_48 : vector<16xf32> to vector<1x16xf32>
      tpu.vector_store %arg5[%swap3A, %swap3A_49], %swap3A_52 {strides = array<i32>} : memref<128x128xf32, #tpu.memory_space<vmem>>, vector<1x16xf32>,
      %broadcast_in_dim3A_53 = arith.constant 1.000000e+00 : f32
      %broadcast_in_dim3A_54 = vector.broadcast %broadcast_in_dim3A_53 : f32 to vector<16xf32>
      %swap3A_55 = arith.index_cast %scan3A_46 : i32 to index
      %swap3A_56 = arith.constant 16 : index
      %swap3A_57 = tpu.vector_load %arg5[%swap3A_55, %swap3A_56] {strides = array<i32>} : memref<128x128xf32, #tpu.memory_space<vmem>>, vector<1x16xf32>,
      %swap3A_58 = vector.shape_cast %swap3A_57 : vector<1x16xf32> to vector<16xf32>
      %swap3A_59 = vector.shape_cast %broadcast_in_dim3A_54 : vector<16xf32> to vector<1x16xf32>
      tpu.vector_store %arg5[%swap3A_55, %swap3A_56], %swap3A_59 {strides = array<i32>} : memref<128x128xf32, #tpu.memory_space<vmem>>, vector<1x16xf32>,
      %broadcast_in_dim3A_60 = arith.constant 1.000000e+00 : f32
      %broadcast_in_dim3A_61 = vector.broadcast %broadcast_in_dim3A_60 : f32 to vector<16xf32>
      %swap3A_62 = arith.index_cast %scan3A_46 : i32 to index
      %swap3A_63 = arith.constant 32 : index
      %swap3A_64 = tpu.vector_load %arg5[%swap3A_62, %swap3A_63] {strides = array<i32>} : memref<128x128xf32, #tpu.memory_space<vmem>>, vector<1x16xf32>,
      %swap3A_65 = vector.shape_cast %swap3A_64 : vector<1x16xf32> to vector<16xf32>
      %swap3A_66 = vector.shape_cast %broadcast_in_dim3A_61 : vector<16xf32> to vector<1x16xf32>
      tpu.vector_store %arg5[%swap3A_62, %swap3A_63], %swap3A_66 {strides = array<i32>} : memref<128x128xf32, #tpu.memory_space<vmem>>, vector<1x16xf32>,
      %broadcast_in_dim3A_67 = arith.constant 1.000000e+00 : f32
      %broadcast_in_dim3A_68 = vector.broadcast %broadcast_in_dim3A_67 : f32 to vector<16xf32>
      %swap3A_69 = arith.index_cast %scan3A_46 : i32 to index
      %swap3A_70 = arith.constant 48 : index
      %swap3A_71 = tpu.vector_load %arg5[%swap3A_69, %swap3A_70] {strides = array<i32>} : memref<128x128xf32, #tpu.memory_space<vmem>>, vector<1x16xf32>,
      %swap3A_72 = vector.shape_cast %swap3A_71 : vector<1x16xf32> to vector<16xf32>
      %swap3A_73 = vector.shape_cast %broadcast_in_dim3A_68 : vector<16xf32> to vector<1x16xf32>
      tpu.vector_store %arg5[%swap3A_69, %swap3A_70], %swap3A_73 {strides = array<i32>} : memref<128x128xf32, #tpu.memory_space<vmem>>, vector<1x16xf32>,
      %broadcast_in_dim3A_74 = arith.constant 1.000000e+00 : f32
      %broadcast_in_dim3A_75 = vector.broadcast %broadcast_in_dim3A_74 : f32 to vector<16xf32>
      %swap3A_76 = arith.index_cast %scan3A_46 : i32 to index
      %swap3A_77 = arith.constant 64 : index
      %swap3A_78 = tpu.vector_load %arg5[%swap3A_76, %swap3A_77] {strides = array<i32>} : memref<128x128xf32, #tpu.memory_space<vmem>>, vector<1x16xf32>,
      %swap3A_79 = vector.shape_cast %swap3A_78 : vector<1x16xf32> to vector<16xf32>
      %swap3A_80 = vector.shape_cast %broadcast_in_dim3A_75 : vector<16xf32> to vector<1x16xf32>
      tpu.vector_store %arg5[%swap3A_76, %swap3A_77], %swap3A_80 {strides = array<i32>} : memref<128x128xf32, #tpu.memory_space<vmem>>, vector<1x16xf32>,
      %broadcast_in_dim3A_81 = arith.constant 1.000000e+00 : f32
      %broadcast_in_dim3A_82 = vector.broadcast %broadcast_in_dim3A_81 : f32 to vector<16xf32>
      %swap3A_83 = arith.index_cast %scan3A_46 : i32 to index
      %swap3A_84 = arith.constant 80 : index
      %swap3A_85 = tpu.vector_load %arg5[%swap3A_83, %swap3A_84] {strides = array<i32>} : memref<128x128xf32, #tpu.memory_space<vmem>>, vector<1x16xf32>,
      %swap3A_86 = vector.shape_cast %swap3A_85 : vector<1x16xf32> to vector<16xf32>
      %swap3A_87 = vector.shape_cast %broadcast_in_dim3A_82 : vector<16xf32> to vector<1x16xf32>
      tpu.vector_store %arg5[%swap3A_83, %swap3A_84], %swap3A_87 {strides = array<i32>} : memref<128x128xf32, #tpu.memory_space<vmem>>, vector<1x16xf32>,
      %broadcast_in_dim3A_88 = arith.constant 1.000000e+00 : f32
      %broadcast_in_dim3A_89 = vector.broadcast %broadcast_in_dim3A_88 : f32 to vector<16xf32>
      %swap3A_90 = arith.index_cast %scan3A_46 : i32 to index
      %swap3A_91 = arith.constant 96 : index
      %swap3A_92 = tpu.vector_load %arg5[%swap3A_90, %swap3A_91] {strides = array<i32>} : memref<128x128xf32, #tpu.memory_space<vmem>>, vector<1x16xf32>,
      %swap3A_93 = vector.shape_cast %swap3A_92 : vector<1x16xf32> to vector<16xf32>
      %swap3A_94 = vector.shape_cast %broadcast_in_dim3A_89 : vector<16xf32> to vector<1x16xf32>
      tpu.vector_store %arg5[%swap3A_90, %swap3A_91], %swap3A_94 {strides = array<i32>} : memref<128x128xf32, #tpu.memory_space<vmem>>, vector<1x16xf32>,
      %broadcast_in_dim3A_95 = arith.constant 1.000000e+00 : f32
      %broadcast_in_dim3A_96 = vector.broadcast %broadcast_in_dim3A_95 : f32 to vector<16xf32>
      %swap3A_97 = arith.index_cast %scan3A_46 : i32 to index
      %swap3A_98 = arith.constant 112 : index
      %swap3A_99 = tpu.vector_load %arg5[%swap3A_97, %swap3A_98] {strides = array<i32>} : memref<128x128xf32, #tpu.memory_space<vmem>>, vector<1x16xf32>,
      %swap3A_100 = vector.shape_cast %swap3A_99 : vector<1x16xf32> to vector<16xf32>
      %swap3A_101 = vector.shape_cast %broadcast_in_dim3A_96 : vector<16xf32> to vector<1x16xf32>
      tpu.vector_store %arg5[%swap3A_97, %swap3A_98], %swap3A_101 {strides = array<i32>} : memref<128x128xf32, #tpu.memory_space<vmem>>, vector<1x16xf32>,
      %scan3A_102 = arith.constant 0 : i32
      scf.yield %scan3A_102 : i32
    }
    %scan3A_33 = arith.constant 128 : i32
    "tpu.region"() ({
      %run_scoped3A = tpu.sem_alloc : memref<!tpu.dma_semaphore, #tpu.memory_space<semaphore_mem>>
      %dma_start3A = arith.constant 0 : i32
      %dma_start3A_46 = arith.constant 0 : i32
      %dma_start3A_47 = tpu.memref_slice %arg2[%add3A, %dma_start3A, %dma_start3A_46] : memref<32x80x128xi32, #tpu.memory_space<hbm>> -> memref<1x80x128xi32, #tpu.memory_space<hbm>>
      %dma_start3A_48 = tpu.memref_squeeze %dma_start3A_47 : memref<1x80x128xi32, #tpu.memory_space<hbm>> -> memref<80x128xi32, #tpu.memory_space<hbm>>
      %dma_start3A_49 = arith.constant 0 : i32
      %dma_start3A_50 = arith.constant 0 : i32
      %dma_start3A_51 = tpu.memref_slice %arg2[%add3A, %dma_start3A_49, %dma_start3A_50] : memref<32x80x128xi32, #tpu.memory_space<hbm>> -> memref<1x80x128xi32, #tpu.memory_space<hbm>>
      %dma_start3A_52 = tpu.memref_squeeze %dma_start3A_51 : memref<1x80x128xi32, #tpu.memory_space<hbm>> -> memref<80x128xi32, #tpu.memory_space<hbm>>
      tpu.enqueue_dma source(%dma_start3A_52 : memref<80x128xi32, #tpu.memory_space<hbm>>) target(%arg4 : memref<80x128xi32, #tpu.memory_space<vmem>>) target_semaphore(%run_scoped3A : memref<!tpu.dma_semaphore, #tpu.memory_space<semaphore_mem>>)
      %dma_wait3A = arith.constant 0 : i32
      %dma_wait3A_53 = arith.constant 0 : i32
      %dma_wait3A_54 = tpu.memref_slice %arg2[%add3A, %dma_wait3A, %dma_wait3A_53] : memref<32x80x128xi32, #tpu.memory_space<hbm>> -> memref<1x80x128xi32, #tpu.memory_space<hbm>>
      %dma_wait3A_55 = tpu.memref_squeeze %dma_wait3A_54 : memref<1x80x128xi32, #tpu.memory_space<hbm>> -> memref<80x128xi32, #tpu.memory_space<hbm>>
      %dma_wait3A_56 = arith.constant 0 : i32
      %dma_wait3A_57 = arith.constant 0 : i32
      %dma_wait3A_58 = tpu.memref_slice %arg2[%add3A, %dma_wait3A_56, %dma_wait3A_57] : memref<32x80x128xi32, #tpu.memory_space<hbm>> -> memref<1x80x128xi32, #tpu.memory_space<hbm>>
      %dma_wait3A_59 = tpu.memref_squeeze %dma_wait3A_58 : memref<1x80x128xi32, #tpu.memory_space<hbm>> -> memref<80x128xi32, #tpu.memory_space<hbm>>
      tpu.wait_dma2 semaphore(%run_scoped3A : memref<!tpu.dma_semaphore, #tpu.memory_space<semaphore_mem>>) src(%dma_wait3A_59 : memref<80x128xi32, #tpu.memory_space<hbm>>) dst(%arg4 : memref<80x128xi32, #tpu.memory_space<vmem>>)
      tpu.yield
    }) : () -> ()
    %barrier3A = arith.constant 0 : index
    tpu.barrier barrier_id(%barrier3A)
    %scan3A_34 = arith.constant 0 : i32
    %scan3A_35 = arith.constant 0 : i32
    %scan3A_36 = arith.constant 80 : i32
    %scan3A_37 = arith.addi %scan3A_35, %scan3A_36 : i32
    %scan3A_38 = arith.constant 1 : i32
    %scan3A_39 = scf.for %scan3A_46 = %scan3A_35 to %scan3A_37 step %scan3A_38 iter_args(%scan3A_47 = %scan3A_34) -> (i32)  : i32 {
      "tpu.region"() ({
        %run_scoped3A = tpu.sem_alloc : memref<!tpu.dma_semaphore, #tpu.memory_space<semaphore_mem>>
        %dma_start3A = arith.constant 0 : i32
        %dma_start3A_49 = tpu.memref_slice %arg4[%scan3A_46, %dma_start3A] : memref<80x128xi32, #tpu.memory_space<vmem>> -> memref<1x128xi32, #tpu.memory_space<vmem>>
        %dma_start3A_50 = tpu.memref_squeeze %dma_start3A_49 : memref<1x128xi32, #tpu.memory_space<vmem>> -> memref<128xi32, #tpu.memory_space<vmem>>
        %dma_start3A_51 = arith.constant 0 : i32
        %dma_start3A_52 = arith.constant 0 : i32
        %dma_start3A_53 = tpu.memref_slice %arg6[%dma_start3A_51, %dma_start3A_52] : memref<10240x128xf32, #tpu.memory_space<vmem_shared>> -> memref<10240x128xf32, #tpu.memory_space<vmem_shared>>
        tpu.enqueue_indirect_dma source(%arg5 : memref<128x128xf32, #tpu.memory_space<vmem>>) target(%dma_start3A_53 : memref<10240x128xf32, #tpu.memory_space<vmem_shared>>) offsets(%dma_start3A_50 : memref<128xi32, #tpu.memory_space<vmem>>) semaphore(%run_scoped3A : memref<!tpu.dma_semaphore, #tpu.memory_space<semaphore_mem>>) {add = true}
        %dma_wait3A = arith.constant 0 : i32
        %dma_wait3A_54 = tpu.memref_slice %arg4[%scan3A_46, %dma_wait3A] : memref<80x128xi32, #tpu.memory_space<vmem>> -> memref<1x128xi32, #tpu.memory_space<vmem>>
        %dma_wait3A_55 = tpu.memref_squeeze %dma_wait3A_54 : memref<1x128xi32, #tpu.memory_space<vmem>> -> memref<128xi32, #tpu.memory_space<vmem>>
        %dma_wait3A_56 = arith.constant 0 : i32
        %dma_wait3A_57 = arith.constant 0 : i32
        %dma_wait3A_58 = tpu.memref_slice %arg6[%dma_wait3A_56, %dma_wait3A_57] : memref<10240x128xf32, #tpu.memory_space<vmem_shared>> -> memref<10240x128xf32, #tpu.memory_space<vmem_shared>>
        tpu.wait_indirect_dma semaphore(%run_scoped3A : memref<!tpu.dma_semaphore, #tpu.memory_space<semaphore_mem>>) src(%arg5 : memref<128x128xf32, #tpu.memory_space<vmem>>) dst(%dma_wait3A_58 : memref<10240x128xf32, #tpu.memory_space<vmem_shared>>)
        tpu.yield
      }) : () -> ()
      %scan3A_48 = arith.constant 0 : i32
      scf.yield %scan3A_48 : i32
    }
    %scan3A_40 = arith.constant 80 : i32
    %barrier3A_41 = arith.constant 0 : index
    tpu.barrier barrier_id(%barrier3A_41)
    %mul3A_42 = arith.constant 640 : i32
    %mul3A_43 = arith.muli %arg1, %mul3A_42 : i32
    %mul3A_44 = arith.constant 640 : i32
    %mul3A_45 = arith.muli %arg1, %mul3A_44 : i32
    "tpu.region"() ({
      %run_scoped3A = tpu.sem_alloc : memref<!tpu.dma_semaphore, #tpu.memory_space<semaphore_mem>>
      %dma_start3A = arith.constant 0 : i32
      %dma_start3A_46 = tpu.memref_slice %arg3[%arg0, %mul3A_45, %dma_start3A] : memref<2x10240x128xf32, #tpu.memory_space<hbm>> -> memref<1x640x128xf32, #tpu.memory_space<hbm>>
      %dma_start3A_47 = tpu.memref_squeeze %dma_start3A_46 : memref<1x640x128xf32, #tpu.memory_space<hbm>> -> memref<640x128xf32, #tpu.memory_space<hbm>>
      %dma_start3A_48 = arith.constant 0 : i32
      %dma_start3A_49 = tpu.memref_slice %arg6[%mul3A_43, %dma_start3A_48] : memref<10240x128xf32, #tpu.memory_space<vmem_shared>> -> memref<640x128xf32, #tpu.memory_space<vmem_shared>>
      tpu.enqueue_dma source(%dma_start3A_49 : memref<640x128xf32, #tpu.memory_space<vmem_shared>>) target(%dma_start3A_47 : memref<640x128xf32, #tpu.memory_space<hbm>>) target_semaphore(%run_scoped3A : memref<!tpu.dma_semaphore, #tpu.memory_space<semaphore_mem>>)
      %dma_wait3A = arith.constant 0 : i32
      %dma_wait3A_50 = tpu.memref_slice %arg3[%arg0, %mul3A_45, %dma_wait3A] : memref<2x10240x128xf32, #tpu.memory_space<hbm>> -> memref<1x640x128xf32, #tpu.memory_space<hbm>>
      %dma_wait3A_51 = tpu.memref_squeeze %dma_wait3A_50 : memref<1x640x128xf32, #tpu.memory_space<hbm>> -> memref<640x128xf32, #tpu.memory_space<hbm>>
      %dma_wait3A_52 = arith.constant 0 : i32
      %dma_wait3A_53 = tpu.memref_slice %arg6[%mul3A_43, %dma_wait3A_52] : memref<10240x128xf32, #tpu.memory_space<vmem_shared>> -> memref<640x128xf32, #tpu.memory_space<vmem_shared>>
      tpu.wait_dma2 semaphore(%run_scoped3A : memref<!tpu.dma_semaphore, #tpu.memory_space<semaphore_mem>>) src(%dma_wait3A_53 : memref<640x128xf32, #tpu.memory_space<vmem_shared>>) dst(%dma_wait3A_51 : memref<640x128xf32, #tpu.memory_space<hbm>>)
      tpu.yield
    }) : () -> ()
    return
  }
}

#map = affine_map<(d0, d1) -> (0, 0, 0)>
#map1 = affine_map<(d0, d1) -> (0, 0)>
module attributes {stable_mosaic.version = 14 : i64} {
  func.func @_scat_body(%arg0: i32, %arg1: i32, %arg2: memref<32x80x128xi32, #tpu.memory_space<hbm>>, %arg3: memref<32x80x128xi32, #tpu.memory_space<hbm>>, %arg4: memref<10240x128xf32, #tpu.memory_space<hbm>>, %arg5: memref<2x10240x128xf32, #tpu.memory_space<hbm>>, %arg6: memref<40x128xi32, #tpu.memory_space<vmem>>, %arg7: memref<40x128xi32, #tpu.memory_space<vmem>>, %arg8: memref<128x128xf32, #tpu.memory_space<vmem>>, %arg9: memref<128x128xf32, #tpu.memory_space<vmem>>, %arg10: memref<10240x128xf32, #tpu.memory_space<vmem_shared>>, %arg11: memref<!tpu.dma_semaphore, #tpu.memory_space<semaphore_mem>>, %arg12: memref<!tpu.dma_semaphore, #tpu.memory_space<semaphore_mem>>) attributes {dimension_semantics = [#tpu.dimension_semantics<core_parallel>, #tpu.dimension_semantics<subcore_parallel>], iteration_bounds = array<i64: 2, 16>, scalar_prefetch = 0 : i64, scratch_operands = 7 : i64, tpu.core_type = #tpu.core_type<sc_vector_subcore>, window_params = [{transform_indices = #map}, {transform_indices = #map}, {transform_indices = #map1}, {transform_indices = #map}]} {
    %mul3A = arith.constant 2 : i32
    %mul3A_0 = arith.muli %arg1, %mul3A : i32
    %add3A = arith.addi %mul3A_0, %arg0 : i32
    %scan3A = arith.constant 0 : i32
    %scan3A_1 = arith.constant 0 : i32
    %scan3A_2 = arith.constant 1024 : i32
    %scan3A_3 = arith.addi %scan3A_1, %scan3A_2 : i32
    %scan3A_4 = arith.constant 1 : i32
    %scan3A_5 = scf.for %scan3A_39 = %scan3A_1 to %scan3A_3 step %scan3A_4 iter_args(%scan3A_40 = %scan3A) -> (i32)  : i32 {
      %jit3A = arith.constant 8 : i32
      %div3A = arith.divsi %scan3A_39, %jit3A : i32
      %sign3A = arith.constant 0 : i32
      %sign3A_41 = arith.cmpi sgt, %scan3A_39, %sign3A : i32
      %sign3A_42 = arith.extui %sign3A_41 : i1 to i32
      %sign3A_43 = arith.constant 0 : i32
      %sign3A_44 = arith.cmpi slt, %scan3A_39, %sign3A_43 : i32
      %sign3A_45 = arith.extui %sign3A_44 : i1 to i32
      %sign3A_46 = arith.subi %sign3A_42, %sign3A_45 : i32
      %sign3A_47 = arith.constant 0 : i32
      %sign3A_48 = arith.cmpi sgt, %jit3A, %sign3A_47 : i32
      %sign3A_49 = arith.extui %sign3A_48 : i1 to i32
      %sign3A_50 = arith.constant 0 : i32
      %sign3A_51 = arith.cmpi slt, %jit3A, %sign3A_50 : i32
      %sign3A_52 = arith.extui %sign3A_51 : i1 to i32
      %sign3A_53 = arith.subi %sign3A_49, %sign3A_52 : i32
      %ne3A = arith.cmpi ne, %sign3A_46, %sign3A_53 : i32
      %rem3A = arith.remsi %scan3A_39, %jit3A : i32
      %ne3A_54 = arith.constant 0 : i32
      %ne3A_55 = arith.cmpi ne, %rem3A, %ne3A_54 : i32
      %and3A = arith.andi %ne3A, %ne3A_55 : i1
      %sub3A = arith.constant 1 : i32
      %sub3A_56 = arith.subi %div3A, %sub3A : i32
      %select_n3A = arith.select %and3A, %sub3A_56, %div3A : i32
      %jit3A_57 = arith.constant 8 : i32
      %eq3A = arith.constant 0 : i32
      %eq3A_58 = arith.cmpi eq, %jit3A_57, %eq3A : i32
      %jit3A_59 = arith.constant 1 : i32
      %select_n3A_60 = arith.select %eq3A_58, %jit3A_59, %jit3A_57 : i32
      %rem3A_61 = arith.remsi %scan3A_39, %select_n3A_60 : i32
      %ne3A_62 = arith.constant 0 : i32
      %ne3A_63 = arith.cmpi ne, %rem3A_61, %ne3A_62 : i32
      %lt3A = arith.constant 0 : i32
      %lt3A_64 = arith.cmpi slt, %rem3A_61, %lt3A : i32
      %lt3A_65 = arith.constant 0 : i32
      %lt3A_66 = arith.cmpi slt, %select_n3A_60, %lt3A_65 : i32
      %ne3A_67 = arith.xori %lt3A_64, %lt3A_66 : i1
      %and3A_68 = arith.andi %ne3A_67, %ne3A_63 : i1
      %add3A_69 = arith.addi %rem3A_61, %select_n3A_60 : i32
      %select_n3A_70 = arith.select %and3A_68, %add3A_69, %rem3A_61 : i32
      %broadcast_in_dim3A = arith.constant 0.000000e+00 : f32
      %broadcast_in_dim3A_71 = vector.broadcast %broadcast_in_dim3A : f32 to vector<16xf32>
      %mul3A_72 = arith.constant 16 : i32
      %mul3A_73 = arith.muli %select_n3A_70, %mul3A_72 : i32
      %swap3A = arith.index_cast %select_n3A : i32 to index
      %swap3A_74 = arith.index_cast %mul3A_73 : i32 to index
      %swap3A_75 = tpu.vector_load %arg8[%swap3A, %swap3A_74] {strides = array<i32>} : memref<128x128xf32, #tpu.memory_space<vmem>>, vector<1x16xf32>,
      %swap3A_76 = vector.shape_cast %swap3A_75 : vector<1x16xf32> to vector<16xf32>
      %swap3A_77 = vector.shape_cast %broadcast_in_dim3A_71 : vector<16xf32> to vector<1x16xf32>
      tpu.vector_store %arg8[%swap3A, %swap3A_74], %swap3A_77 {strides = array<i32>} : memref<128x128xf32, #tpu.memory_space<vmem>>, vector<1x16xf32>,
      %scan3A_78 = arith.constant 0 : i32
      scf.yield %scan3A_78 : i32
    }
    %scan3A_6 = arith.constant 1024 : i32
    %mul3A_7 = arith.constant 640 : i32
    %mul3A_8 = arith.muli %arg1, %mul3A_7 : i32
    %add3A_9 = arith.constant 0 : i32
    %add3A_10 = arith.addi %mul3A_8, %add3A_9 : i32
    "tpu.region"() ({
      %run_scoped3A = tpu.sem_alloc : memref<!tpu.dma_semaphore, #tpu.memory_space<semaphore_mem>>
      %dma_start3A = arith.constant 0 : i32
      %dma_start3A_39 = tpu.memref_slice %arg10[%add3A_10, %dma_start3A] : memref<10240x128xf32, #tpu.memory_space<vmem_shared>> -> memref<128x128xf32, #tpu.memory_space<vmem_shared>>
      %dma_start3A_40 = arith.constant 0 : i32
      %dma_start3A_41 = tpu.memref_slice %arg10[%add3A_10, %dma_start3A_40] : memref<10240x128xf32, #tpu.memory_space<vmem_shared>> -> memref<128x128xf32, #tpu.memory_space<vmem_shared>>
      tpu.enqueue_dma source(%arg8 : memref<128x128xf32, #tpu.memory_space<vmem>>) target(%dma_start3A_41 : memref<128x128xf32, #tpu.memory_space<vmem_shared>>) target_semaphore(%run_scoped3A : memref<!tpu.dma_semaphore, #tpu.memory_space<semaphore_mem>>)
      %dma_wait3A = arith.constant 0 : i32
      %dma_wait3A_42 = tpu.memref_slice %arg10[%add3A_10, %dma_wait3A] : memref<10240x128xf32, #tpu.memory_space<vmem_shared>> -> memref<128x128xf32, #tpu.memory_space<vmem_shared>>
      %dma_wait3A_43 = arith.constant 0 : i32
      %dma_wait3A_44 = tpu.memref_slice %arg10[%add3A_10, %dma_wait3A_43] : memref<10240x128xf32, #tpu.memory_space<vmem_shared>> -> memref<128x128xf32, #tpu.memory_space<vmem_shared>>
      tpu.wait_dma2 semaphore(%run_scoped3A : memref<!tpu.dma_semaphore, #tpu.memory_space<semaphore_mem>>) src(%arg8 : memref<128x128xf32, #tpu.memory_space<vmem>>) dst(%dma_wait3A_44 : memref<128x128xf32, #tpu.memory_space<vmem_shared>>)
      tpu.yield
    }) : () -> ()
    %mul3A_11 = arith.constant 640 : i32
    %mul3A_12 = arith.muli %arg1, %mul3A_11 : i32
    %add3A_13 = arith.constant 128 : i32
    %add3A_14 = arith.addi %mul3A_12, %add3A_13 : i32
    "tpu.region"() ({
      %run_scoped3A = tpu.sem_alloc : memref<!tpu.dma_semaphore, #tpu.memory_space<semaphore_mem>>
      %dma_start3A = arith.constant 0 : i32
      %dma_start3A_39 = tpu.memref_slice %arg10[%add3A_14, %dma_start3A] : memref<10240x128xf32, #tpu.memory_space<vmem_shared>> -> memref<128x128xf32, #tpu.memory_space<vmem_shared>>
      %dma_start3A_40 = arith.constant 0 : i32
      %dma_start3A_41 = tpu.memref_slice %arg10[%add3A_14, %dma_start3A_40] : memref<10240x128xf32, #tpu.memory_space<vmem_shared>> -> memref<128x128xf32, #tpu.memory_space<vmem_shared>>
      tpu.enqueue_dma source(%arg8 : memref<128x128xf32, #tpu.memory_space<vmem>>) target(%dma_start3A_41 : memref<128x128xf32, #tpu.memory_space<vmem_shared>>) target_semaphore(%run_scoped3A : memref<!tpu.dma_semaphore, #tpu.memory_space<semaphore_mem>>)
      %dma_wait3A = arith.constant 0 : i32
      %dma_wait3A_42 = tpu.memref_slice %arg10[%add3A_14, %dma_wait3A] : memref<10240x128xf32, #tpu.memory_space<vmem_shared>> -> memref<128x128xf32, #tpu.memory_space<vmem_shared>>
      %dma_wait3A_43 = arith.constant 0 : i32
      %dma_wait3A_44 = tpu.memref_slice %arg10[%add3A_14, %dma_wait3A_43] : memref<10240x128xf32, #tpu.memory_space<vmem_shared>> -> memref<128x128xf32, #tpu.memory_space<vmem_shared>>
      tpu.wait_dma2 semaphore(%run_scoped3A : memref<!tpu.dma_semaphore, #tpu.memory_space<semaphore_mem>>) src(%arg8 : memref<128x128xf32, #tpu.memory_space<vmem>>) dst(%dma_wait3A_44 : memref<128x128xf32, #tpu.memory_space<vmem_shared>>)
      tpu.yield
    }) : () -> ()
    %mul3A_15 = arith.constant 640 : i32
    %mul3A_16 = arith.muli %arg1, %mul3A_15 : i32
    %add3A_17 = arith.constant 256 : i32
    %add3A_18 = arith.addi %mul3A_16, %add3A_17 : i32
    "tpu.region"() ({
      %run_scoped3A = tpu.sem_alloc : memref<!tpu.dma_semaphore, #tpu.memory_space<semaphore_mem>>
      %dma_start3A = arith.constant 0 : i32
      %dma_start3A_39 = tpu.memref_slice %arg10[%add3A_18, %dma_start3A] : memref<10240x128xf32, #tpu.memory_space<vmem_shared>> -> memref<128x128xf32, #tpu.memory_space<vmem_shared>>
      %dma_start3A_40 = arith.constant 0 : i32
      %dma_start3A_41 = tpu.memref_slice %arg10[%add3A_18, %dma_start3A_40] : memref<10240x128xf32, #tpu.memory_space<vmem_shared>> -> memref<128x128xf32, #tpu.memory_space<vmem_shared>>
      tpu.enqueue_dma source(%arg8 : memref<128x128xf32, #tpu.memory_space<vmem>>) target(%dma_start3A_41 : memref<128x128xf32, #tpu.memory_space<vmem_shared>>) target_semaphore(%run_scoped3A : memref<!tpu.dma_semaphore, #tpu.memory_space<semaphore_mem>>)
      %dma_wait3A = arith.constant 0 : i32
      %dma_wait3A_42 = tpu.memref_slice %arg10[%add3A_18, %dma_wait3A] : memref<10240x128xf32, #tpu.memory_space<vmem_shared>> -> memref<128x128xf32, #tpu.memory_space<vmem_shared>>
      %dma_wait3A_43 = arith.constant 0 : i32
      %dma_wait3A_44 = tpu.memref_slice %arg10[%add3A_18, %dma_wait3A_43] : memref<10240x128xf32, #tpu.memory_space<vmem_shared>> -> memref<128x128xf32, #tpu.memory_space<vmem_shared>>
      tpu.wait_dma2 semaphore(%run_scoped3A : memref<!tpu.dma_semaphore, #tpu.memory_space<semaphore_mem>>) src(%arg8 : memref<128x128xf32, #tpu.memory_space<vmem>>) dst(%dma_wait3A_44 : memref<128x128xf32, #tpu.memory_space<vmem_shared>>)
      tpu.yield
    }) : () -> ()
    %mul3A_19 = arith.constant 640 : i32
    %mul3A_20 = arith.muli %arg1, %mul3A_19 : i32
    %add3A_21 = arith.constant 384 : i32
    %add3A_22 = arith.addi %mul3A_20, %add3A_21 : i32
    "tpu.region"() ({
      %run_scoped3A = tpu.sem_alloc : memref<!tpu.dma_semaphore, #tpu.memory_space<semaphore_mem>>
      %dma_start3A = arith.constant 0 : i32
      %dma_start3A_39 = tpu.memref_slice %arg10[%add3A_22, %dma_start3A] : memref<10240x128xf32, #tpu.memory_space<vmem_shared>> -> memref<128x128xf32, #tpu.memory_space<vmem_shared>>
      %dma_start3A_40 = arith.constant 0 : i32
      %dma_start3A_41 = tpu.memref_slice %arg10[%add3A_22, %dma_start3A_40] : memref<10240x128xf32, #tpu.memory_space<vmem_shared>> -> memref<128x128xf32, #tpu.memory_space<vmem_shared>>
      tpu.enqueue_dma source(%arg8 : memref<128x128xf32, #tpu.memory_space<vmem>>) target(%dma_start3A_41 : memref<128x128xf32, #tpu.memory_space<vmem_shared>>) target_semaphore(%run_scoped3A : memref<!tpu.dma_semaphore, #tpu.memory_space<semaphore_mem>>)
      %dma_wait3A = arith.constant 0 : i32
      %dma_wait3A_42 = tpu.memref_slice %arg10[%add3A_22, %dma_wait3A] : memref<10240x128xf32, #tpu.memory_space<vmem_shared>> -> memref<128x128xf32, #tpu.memory_space<vmem_shared>>
      %dma_wait3A_43 = arith.constant 0 : i32
      %dma_wait3A_44 = tpu.memref_slice %arg10[%add3A_22, %dma_wait3A_43] : memref<10240x128xf32, #tpu.memory_space<vmem_shared>> -> memref<128x128xf32, #tpu.memory_space<vmem_shared>>
      tpu.wait_dma2 semaphore(%run_scoped3A : memref<!tpu.dma_semaphore, #tpu.memory_space<semaphore_mem>>) src(%arg8 : memref<128x128xf32, #tpu.memory_space<vmem>>) dst(%dma_wait3A_44 : memref<128x128xf32, #tpu.memory_space<vmem_shared>>)
      tpu.yield
    }) : () -> ()
    %mul3A_23 = arith.constant 640 : i32
    %mul3A_24 = arith.muli %arg1, %mul3A_23 : i32
    %add3A_25 = arith.constant 512 : i32
    %add3A_26 = arith.addi %mul3A_24, %add3A_25 : i32
    "tpu.region"() ({
      %run_scoped3A = tpu.sem_alloc : memref<!tpu.dma_semaphore, #tpu.memory_space<semaphore_mem>>
      %dma_start3A = arith.constant 0 : i32
      %dma_start3A_39 = tpu.memref_slice %arg10[%add3A_26, %dma_start3A] : memref<10240x128xf32, #tpu.memory_space<vmem_shared>> -> memref<128x128xf32, #tpu.memory_space<vmem_shared>>
      %dma_start3A_40 = arith.constant 0 : i32
      %dma_start3A_41 = tpu.memref_slice %arg10[%add3A_26, %dma_start3A_40] : memref<10240x128xf32, #tpu.memory_space<vmem_shared>> -> memref<128x128xf32, #tpu.memory_space<vmem_shared>>
      tpu.enqueue_dma source(%arg8 : memref<128x128xf32, #tpu.memory_space<vmem>>) target(%dma_start3A_41 : memref<128x128xf32, #tpu.memory_space<vmem_shared>>) target_semaphore(%run_scoped3A : memref<!tpu.dma_semaphore, #tpu.memory_space<semaphore_mem>>)
      %dma_wait3A = arith.constant 0 : i32
      %dma_wait3A_42 = tpu.memref_slice %arg10[%add3A_26, %dma_wait3A] : memref<10240x128xf32, #tpu.memory_space<vmem_shared>> -> memref<128x128xf32, #tpu.memory_space<vmem_shared>>
      %dma_wait3A_43 = arith.constant 0 : i32
      %dma_wait3A_44 = tpu.memref_slice %arg10[%add3A_26, %dma_wait3A_43] : memref<10240x128xf32, #tpu.memory_space<vmem_shared>> -> memref<128x128xf32, #tpu.memory_space<vmem_shared>>
      tpu.wait_dma2 semaphore(%run_scoped3A : memref<!tpu.dma_semaphore, #tpu.memory_space<semaphore_mem>>) src(%arg8 : memref<128x128xf32, #tpu.memory_space<vmem>>) dst(%dma_wait3A_44 : memref<128x128xf32, #tpu.memory_space<vmem_shared>>)
      tpu.yield
    }) : () -> ()
    %barrier3A = arith.constant 0 : index
    tpu.barrier barrier_id(%barrier3A)
    %scan3A_27 = arith.constant 0 : i32
    %scan3A_28 = arith.constant 0 : i32
    %scan3A_29 = arith.constant 2 : i32
    %scan3A_30 = arith.addi %scan3A_28, %scan3A_29 : i32
    %scan3A_31 = arith.constant 1 : i32
    %scan3A_32 = scf.for %scan3A_39 = %scan3A_28 to %scan3A_30 step %scan3A_31 iter_args(%scan3A_40 = %scan3A_27) -> (i32)  : i32 {
      %mul3A_41 = arith.constant 40 : i32
      %mul3A_42 = arith.muli %scan3A_39, %mul3A_41 : i32
      "tpu.region"() ({
        %run_scoped3A = tpu.sem_alloc : memref<!tpu.dma_semaphore, #tpu.memory_space<semaphore_mem>>
        %dma_start3A_59 = arith.constant 0 : i32
        %dma_start3A_60 = tpu.memref_slice %arg2[%add3A, %mul3A_42, %dma_start3A_59] : memref<32x80x128xi32, #tpu.memory_space<hbm>> -> memref<1x40x128xi32, #tpu.memory_space<hbm>>
        %dma_start3A_61 = tpu.memref_squeeze %dma_start3A_60 : memref<1x40x128xi32, #tpu.memory_space<hbm>> -> memref<40x128xi32, #tpu.memory_space<hbm>>
        %dma_start3A_62 = arith.constant 0 : i32
        %dma_start3A_63 = tpu.memref_slice %arg2[%add3A, %mul3A_42, %dma_start3A_62] : memref<32x80x128xi32, #tpu.memory_space<hbm>> -> memref<1x40x128xi32, #tpu.memory_space<hbm>>
        %dma_start3A_64 = tpu.memref_squeeze %dma_start3A_63 : memref<1x40x128xi32, #tpu.memory_space<hbm>> -> memref<40x128xi32, #tpu.memory_space<hbm>>
        tpu.enqueue_dma source(%dma_start3A_64 : memref<40x128xi32, #tpu.memory_space<hbm>>) target(%arg6 : memref<40x128xi32, #tpu.memory_space<vmem>>) target_semaphore(%run_scoped3A : memref<!tpu.dma_semaphore, #tpu.memory_space<semaphore_mem>>)
        %dma_wait3A = arith.constant 0 : i32
        %dma_wait3A_65 = tpu.memref_slice %arg2[%add3A, %mul3A_42, %dma_wait3A] : memref<32x80x128xi32, #tpu.memory_space<hbm>> -> memref<1x40x128xi32, #tpu.memory_space<hbm>>
        %dma_wait3A_66 = tpu.memref_squeeze %dma_wait3A_65 : memref<1x40x128xi32, #tpu.memory_space<hbm>> -> memref<40x128xi32, #tpu.memory_space<hbm>>
        %dma_wait3A_67 = arith.constant 0 : i32
        %dma_wait3A_68 = tpu.memref_slice %arg2[%add3A, %mul3A_42, %dma_wait3A_67] : memref<32x80x128xi32, #tpu.memory_space<hbm>> -> memref<1x40x128xi32, #tpu.memory_space<hbm>>
        %dma_wait3A_69 = tpu.memref_squeeze %dma_wait3A_68 : memref<1x40x128xi32, #tpu.memory_space<hbm>> -> memref<40x128xi32, #tpu.memory_space<hbm>>
        tpu.wait_dma2 semaphore(%run_scoped3A : memref<!tpu.dma_semaphore, #tpu.memory_space<semaphore_mem>>) src(%dma_wait3A_69 : memref<40x128xi32, #tpu.memory_space<hbm>>) dst(%arg6 : memref<40x128xi32, #tpu.memory_space<vmem>>)
        tpu.yield
      }) : () -> ()
      %mul3A_43 = arith.constant 40 : i32
      %mul3A_44 = arith.muli %scan3A_39, %mul3A_43 : i32
      "tpu.region"() ({
        %run_scoped3A = tpu.sem_alloc : memref<!tpu.dma_semaphore, #tpu.memory_space<semaphore_mem>>
        %dma_start3A_59 = arith.constant 0 : i32
        %dma_start3A_60 = tpu.memref_slice %arg3[%add3A, %mul3A_44, %dma_start3A_59] : memref<32x80x128xi32, #tpu.memory_space<hbm>> -> memref<1x40x128xi32, #tpu.memory_space<hbm>>
        %dma_start3A_61 = tpu.memref_squeeze %dma_start3A_60 : memref<1x40x128xi32, #tpu.memory_space<hbm>> -> memref<40x128xi32, #tpu.memory_space<hbm>>
        %dma_start3A_62 = arith.constant 0 : i32
        %dma_start3A_63 = tpu.memref_slice %arg3[%add3A, %mul3A_44, %dma_start3A_62] : memref<32x80x128xi32, #tpu.memory_space<hbm>> -> memref<1x40x128xi32, #tpu.memory_space<hbm>>
        %dma_start3A_64 = tpu.memref_squeeze %dma_start3A_63 : memref<1x40x128xi32, #tpu.memory_space<hbm>> -> memref<40x128xi32, #tpu.memory_space<hbm>>
        tpu.enqueue_dma source(%dma_start3A_64 : memref<40x128xi32, #tpu.memory_space<hbm>>) target(%arg7 : memref<40x128xi32, #tpu.memory_space<vmem>>) target_semaphore(%run_scoped3A : memref<!tpu.dma_semaphore, #tpu.memory_space<semaphore_mem>>)
        %dma_wait3A = arith.constant 0 : i32
        %dma_wait3A_65 = tpu.memref_slice %arg3[%add3A, %mul3A_44, %dma_wait3A] : memref<32x80x128xi32, #tpu.memory_space<hbm>> -> memref<1x40x128xi32, #tpu.memory_space<hbm>>
        %dma_wait3A_66 = tpu.memref_squeeze %dma_wait3A_65 : memref<1x40x128xi32, #tpu.memory_space<hbm>> -> memref<40x128xi32, #tpu.memory_space<hbm>>
        %dma_wait3A_67 = arith.constant 0 : i32
        %dma_wait3A_68 = tpu.memref_slice %arg3[%add3A, %mul3A_44, %dma_wait3A_67] : memref<32x80x128xi32, #tpu.memory_space<hbm>> -> memref<1x40x128xi32, #tpu.memory_space<hbm>>
        %dma_wait3A_69 = tpu.memref_squeeze %dma_wait3A_68 : memref<1x40x128xi32, #tpu.memory_space<hbm>> -> memref<40x128xi32, #tpu.memory_space<hbm>>
        tpu.wait_dma2 semaphore(%run_scoped3A : memref<!tpu.dma_semaphore, #tpu.memory_space<semaphore_mem>>) src(%dma_wait3A_69 : memref<40x128xi32, #tpu.memory_space<hbm>>) dst(%arg7 : memref<40x128xi32, #tpu.memory_space<vmem>>)
        tpu.yield
      }) : () -> ()
      %dma_start3A = arith.constant 0 : i32
      %dma_start3A_45 = arith.constant 0 : i32
      %dma_start3A_46 = tpu.memref_slice %arg6[%dma_start3A, %dma_start3A_45] : memref<40x128xi32, #tpu.memory_space<vmem>> -> memref<1x128xi32, #tpu.memory_space<vmem>>
      %dma_start3A_47 = tpu.memref_squeeze %dma_start3A_46 : memref<1x128xi32, #tpu.memory_space<vmem>> -> memref<128xi32, #tpu.memory_space<vmem>>
      %dma_start3A_48 = arith.constant 0 : i32
      %dma_start3A_49 = arith.constant 0 : i32
      %dma_start3A_50 = tpu.memref_slice %arg4[%dma_start3A_48, %dma_start3A_49] : memref<10240x128xf32, #tpu.memory_space<hbm>> -> memref<10240x128xf32, #tpu.memory_space<hbm>>
      tpu.enqueue_indirect_dma source(%dma_start3A_50 : memref<10240x128xf32, #tpu.memory_space<hbm>>) target(%arg8 : memref<128x128xf32, #tpu.memory_space<vmem>>) offsets(%dma_start3A_47 : memref<128xi32, #tpu.memory_space<vmem>>) semaphore(%arg11 : memref<!tpu.dma_semaphore, #tpu.memory_space<semaphore_mem>>)
      %scan3A_51 = arith.constant 0 : i32
      %scan3A_52 = arith.constant 0 : i32
      %scan3A_53 = arith.constant 20 : i32
      %scan3A_54 = arith.addi %scan3A_52, %scan3A_53 : i32
      %scan3A_55 = arith.constant 1 : i32
      %scan3A_56 = scf.for %scan3A_59 = %scan3A_52 to %scan3A_54 step %scan3A_55 iter_args(%scan3A_60 = %scan3A_51) -> (i32)  : i32 {
        %mul3A_61 = arith.constant 2 : i32
        %mul3A_62 = arith.muli %mul3A_61, %scan3A_59 : i32
        %add3A_63 = arith.constant 1 : i32
        %add3A_64 = arith.addi %mul3A_62, %add3A_63 : i32
        %dma_start3A_65 = arith.constant 0 : i32
        %dma_start3A_66 = tpu.memref_slice %arg6[%add3A_64, %dma_start3A_65] : memref<40x128xi32, #tpu.memory_space<vmem>> -> memref<1x128xi32, #tpu.memory_space<vmem>>
        %dma_start3A_67 = tpu.memref_squeeze %dma_start3A_66 : memref<1x128xi32, #tpu.memory_space<vmem>> -> memref<128xi32, #tpu.memory_space<vmem>>
        %dma_start3A_68 = arith.constant 0 : i32
        %dma_start3A_69 = arith.constant 0 : i32
        %dma_start3A_70 = tpu.memref_slice %arg4[%dma_start3A_68, %dma_start3A_69] : memref<10240x128xf32, #tpu.memory_space<hbm>> -> memref<10240x128xf32, #tpu.memory_space<hbm>>
        tpu.enqueue_indirect_dma source(%dma_start3A_70 : memref<10240x128xf32, #tpu.memory_space<hbm>>) target(%arg9 : memref<128x128xf32, #tpu.memory_space<vmem>>) offsets(%dma_start3A_67 : memref<128xi32, #tpu.memory_space<vmem>>) semaphore(%arg12 : memref<!tpu.dma_semaphore, #tpu.memory_space<semaphore_mem>>)
        %mul3A_71 = arith.constant 2 : i32
        %mul3A_72 = arith.muli %mul3A_71, %scan3A_59 : i32
        %dma_wait3A = arith.constant 0 : i32
        %dma_wait3A_73 = tpu.memref_slice %arg6[%mul3A_72, %dma_wait3A] : memref<40x128xi32, #tpu.memory_space<vmem>> -> memref<1x128xi32, #tpu.memory_space<vmem>>
        %dma_wait3A_74 = tpu.memref_squeeze %dma_wait3A_73 : memref<1x128xi32, #tpu.memory_space<vmem>> -> memref<128xi32, #tpu.memory_space<vmem>>
        %dma_wait3A_75 = arith.constant 0 : i32
        %dma_wait3A_76 = arith.constant 0 : i32
        %dma_wait3A_77 = tpu.memref_slice %arg4[%dma_wait3A_75, %dma_wait3A_76] : memref<10240x128xf32, #tpu.memory_space<hbm>> -> memref<10240x128xf32, #tpu.memory_space<hbm>>
        tpu.wait_indirect_dma semaphore(%arg11 : memref<!tpu.dma_semaphore, #tpu.memory_space<semaphore_mem>>) src(%dma_wait3A_77 : memref<10240x128xf32, #tpu.memory_space<hbm>>) dst(%arg8 : memref<128x128xf32, #tpu.memory_space<vmem>>)
        %mul3A_78 = arith.constant 2 : i32
        %mul3A_79 = arith.muli %mul3A_78, %scan3A_59 : i32
        "tpu.region"() ({
          %run_scoped3A = tpu.sem_alloc : memref<!tpu.dma_semaphore, #tpu.memory_space<semaphore_mem>>
          %dma_start3A_97 = arith.constant 0 : i32
          %dma_start3A_98 = tpu.memref_slice %arg7[%mul3A_79, %dma_start3A_97] : memref<40x128xi32, #tpu.memory_space<vmem>> -> memref<1x128xi32, #tpu.memory_space<vmem>>
          %dma_start3A_99 = tpu.memref_squeeze %dma_start3A_98 : memref<1x128xi32, #tpu.memory_space<vmem>> -> memref<128xi32, #tpu.memory_space<vmem>>
          %dma_start3A_100 = arith.constant 0 : i32
          %dma_start3A_101 = arith.constant 0 : i32
          %dma_start3A_102 = tpu.memref_slice %arg10[%dma_start3A_100, %dma_start3A_101] : memref<10240x128xf32, #tpu.memory_space<vmem_shared>> -> memref<10240x128xf32, #tpu.memory_space<vmem_shared>>
          tpu.enqueue_indirect_dma source(%arg8 : memref<128x128xf32, #tpu.memory_space<vmem>>) target(%dma_start3A_102 : memref<10240x128xf32, #tpu.memory_space<vmem_shared>>) offsets(%dma_start3A_99 : memref<128xi32, #tpu.memory_space<vmem>>) semaphore(%run_scoped3A : memref<!tpu.dma_semaphore, #tpu.memory_space<semaphore_mem>>) {add = true}
          %dma_wait3A_103 = arith.constant 0 : i32
          %dma_wait3A_104 = tpu.memref_slice %arg7[%mul3A_79, %dma_wait3A_103] : memref<40x128xi32, #tpu.memory_space<vmem>> -> memref<1x128xi32, #tpu.memory_space<vmem>>
          %dma_wait3A_105 = tpu.memref_squeeze %dma_wait3A_104 : memref<1x128xi32, #tpu.memory_space<vmem>> -> memref<128xi32, #tpu.memory_space<vmem>>
          %dma_wait3A_106 = arith.constant 0 : i32
          %dma_wait3A_107 = arith.constant 0 : i32
          %dma_wait3A_108 = tpu.memref_slice %arg10[%dma_wait3A_106, %dma_wait3A_107] : memref<10240x128xf32, #tpu.memory_space<vmem_shared>> -> memref<10240x128xf32, #tpu.memory_space<vmem_shared>>
          tpu.wait_indirect_dma semaphore(%run_scoped3A : memref<!tpu.dma_semaphore, #tpu.memory_space<semaphore_mem>>) src(%arg8 : memref<128x128xf32, #tpu.memory_space<vmem>>) dst(%dma_wait3A_108 : memref<10240x128xf32, #tpu.memory_space<vmem_shared>>)
          tpu.yield
        }) : () -> ()
        %lt3A = arith.constant 19 : i32
        %lt3A_80 = arith.cmpi slt, %scan3A_59, %lt3A : i32
        %convert_element_type3A = arith.extui %lt3A_80 : i1 to i32
        %cond3A = arith.constant 0 : i32
        %cond3A_81 = arith.cmpi ne, %convert_element_type3A, %cond3A : i32
        scf.if %cond3A_81 {
          %mul3A_97 = arith.constant 2 : i32
          %mul3A_98 = arith.muli %mul3A_97, %scan3A_59 : i32
          %add3A_99 = arith.constant 2 : i32
          %add3A_100 = arith.addi %mul3A_98, %add3A_99 : i32
          %dma_start3A_101 = arith.constant 0 : i32
          %dma_start3A_102 = tpu.memref_slice %arg6[%add3A_100, %dma_start3A_101] : memref<40x128xi32, #tpu.memory_space<vmem>> -> memref<1x128xi32, #tpu.memory_space<vmem>>
          %dma_start3A_103 = tpu.memref_squeeze %dma_start3A_102 : memref<1x128xi32, #tpu.memory_space<vmem>> -> memref<128xi32, #tpu.memory_space<vmem>>
          %dma_start3A_104 = arith.constant 0 : i32
          %dma_start3A_105 = arith.constant 0 : i32
          %dma_start3A_106 = tpu.memref_slice %arg4[%dma_start3A_104, %dma_start3A_105] : memref<10240x128xf32, #tpu.memory_space<hbm>> -> memref<10240x128xf32, #tpu.memory_space<hbm>>
          tpu.enqueue_indirect_dma source(%dma_start3A_106 : memref<10240x128xf32, #tpu.memory_space<hbm>>) target(%arg8 : memref<128x128xf32, #tpu.memory_space<vmem>>) offsets(%dma_start3A_103 : memref<128xi32, #tpu.memory_space<vmem>>) semaphore(%arg11 : memref<!tpu.dma_semaphore, #tpu.memory_space<semaphore_mem>>)
        } else {
        }
        %mul3A_82 = arith.constant 2 : i32
        %mul3A_83 = arith.muli %mul3A_82, %scan3A_59 : i32
        %add3A_84 = arith.constant 1 : i32
        %add3A_85 = arith.addi %mul3A_83, %add3A_84 : i32
        %dma_wait3A_86 = arith.constant 0 : i32
        %dma_wait3A_87 = tpu.memref_slice %arg6[%add3A_85, %dma_wait3A_86] : memref<40x128xi32, #tpu.memory_space<vmem>> -> memref<1x128xi32, #tpu.memory_space<vmem>>
        %dma_wait3A_88 = tpu.memref_squeeze %dma_wait3A_87 : memref<1x128xi32, #tpu.memory_space<vmem>> -> memref<128xi32, #tpu.memory_space<vmem>>
        %dma_wait3A_89 = arith.constant 0 : i32
        %dma_wait3A_90 = arith.constant 0 : i32
        %dma_wait3A_91 = tpu.memref_slice %arg4[%dma_wait3A_89, %dma_wait3A_90] : memref<10240x128xf32, #tpu.memory_space<hbm>> -> memref<10240x128xf32, #tpu.memory_space<hbm>>
        tpu.wait_indirect_dma semaphore(%arg12 : memref<!tpu.dma_semaphore, #tpu.memory_space<semaphore_mem>>) src(%dma_wait3A_91 : memref<10240x128xf32, #tpu.memory_space<hbm>>) dst(%arg9 : memref<128x128xf32, #tpu.memory_space<vmem>>)
        %mul3A_92 = arith.constant 2 : i32
        %mul3A_93 = arith.muli %mul3A_92, %scan3A_59 : i32
        %add3A_94 = arith.constant 1 : i32
        %add3A_95 = arith.addi %mul3A_93, %add3A_94 : i32
        "tpu.region"() ({
          %run_scoped3A = tpu.sem_alloc : memref<!tpu.dma_semaphore, #tpu.memory_space<semaphore_mem>>
          %dma_start3A_97 = arith.constant 0 : i32
          %dma_start3A_98 = tpu.memref_slice %arg7[%add3A_95, %dma_start3A_97] : memref<40x128xi32, #tpu.memory_space<vmem>> -> memref<1x128xi32, #tpu.memory_space<vmem>>
          %dma_start3A_99 = tpu.memref_squeeze %dma_start3A_98 : memref<1x128xi32, #tpu.memory_space<vmem>> -> memref<128xi32, #tpu.memory_space<vmem>>
          %dma_start3A_100 = arith.constant 0 : i32
          %dma_start3A_101 = arith.constant 0 : i32
          %dma_start3A_102 = tpu.memref_slice %arg10[%dma_start3A_100, %dma_start3A_101] : memref<10240x128xf32, #tpu.memory_space<vmem_shared>> -> memref<10240x128xf32, #tpu.memory_space<vmem_shared>>
          tpu.enqueue_indirect_dma source(%arg9 : memref<128x128xf32, #tpu.memory_space<vmem>>) target(%dma_start3A_102 : memref<10240x128xf32, #tpu.memory_space<vmem_shared>>) offsets(%dma_start3A_99 : memref<128xi32, #tpu.memory_space<vmem>>) semaphore(%run_scoped3A : memref<!tpu.dma_semaphore, #tpu.memory_space<semaphore_mem>>) {add = true}
          %dma_wait3A_103 = arith.constant 0 : i32
          %dma_wait3A_104 = tpu.memref_slice %arg7[%add3A_95, %dma_wait3A_103] : memref<40x128xi32, #tpu.memory_space<vmem>> -> memref<1x128xi32, #tpu.memory_space<vmem>>
          %dma_wait3A_105 = tpu.memref_squeeze %dma_wait3A_104 : memref<1x128xi32, #tpu.memory_space<vmem>> -> memref<128xi32, #tpu.memory_space<vmem>>
          %dma_wait3A_106 = arith.constant 0 : i32
          %dma_wait3A_107 = arith.constant 0 : i32
          %dma_wait3A_108 = tpu.memref_slice %arg10[%dma_wait3A_106, %dma_wait3A_107] : memref<10240x128xf32, #tpu.memory_space<vmem_shared>> -> memref<10240x128xf32, #tpu.memory_space<vmem_shared>>
          tpu.wait_indirect_dma semaphore(%run_scoped3A : memref<!tpu.dma_semaphore, #tpu.memory_space<semaphore_mem>>) src(%arg9 : memref<128x128xf32, #tpu.memory_space<vmem>>) dst(%dma_wait3A_108 : memref<10240x128xf32, #tpu.memory_space<vmem_shared>>)
          tpu.yield
        }) : () -> ()
        %scan3A_96 = arith.constant 0 : i32
        scf.yield %scan3A_96 : i32
      }
      %scan3A_57 = arith.constant 20 : i32
      %scan3A_58 = arith.constant 0 : i32
      scf.yield %scan3A_58 : i32
    }
    %scan3A_33 = arith.constant 2 : i32
    %barrier3A_34 = arith.constant 0 : index
    tpu.barrier barrier_id(%barrier3A_34)
    %mul3A_35 = arith.constant 640 : i32
    %mul3A_36 = arith.muli %arg1, %mul3A_35 : i32
    %mul3A_37 = arith.constant 640 : i32
    %mul3A_38 = arith.muli %arg1, %mul3A_37 : i32
    "tpu.region"() ({
      %run_scoped3A = tpu.sem_alloc : memref<!tpu.dma_semaphore, #tpu.memory_space<semaphore_mem>>
      %dma_start3A = arith.constant 0 : i32
      %dma_start3A_39 = tpu.memref_slice %arg5[%arg0, %mul3A_38, %dma_start3A] : memref<2x10240x128xf32, #tpu.memory_space<hbm>> -> memref<1x640x128xf32, #tpu.memory_space<hbm>>
      %dma_start3A_40 = tpu.memref_squeeze %dma_start3A_39 : memref<1x640x128xf32, #tpu.memory_space<hbm>> -> memref<640x128xf32, #tpu.memory_space<hbm>>
      %dma_start3A_41 = arith.constant 0 : i32
      %dma_start3A_42 = tpu.memref_slice %arg10[%mul3A_36, %dma_start3A_41] : memref<10240x128xf32, #tpu.memory_space<vmem_shared>> -> memref<640x128xf32, #tpu.memory_space<vmem_shared>>
      tpu.enqueue_dma source(%dma_start3A_42 : memref<640x128xf32, #tpu.memory_space<vmem_shared>>) target(%dma_start3A_40 : memref<640x128xf32, #tpu.memory_space<hbm>>) target_semaphore(%run_scoped3A : memref<!tpu.dma_semaphore, #tpu.memory_space<semaphore_mem>>)
      %dma_wait3A = arith.constant 0 : i32
      %dma_wait3A_43 = tpu.memref_slice %arg5[%arg0, %mul3A_38, %dma_wait3A] : memref<2x10240x128xf32, #tpu.memory_space<hbm>> -> memref<1x640x128xf32, #tpu.memory_space<hbm>>
      %dma_wait3A_44 = tpu.memref_squeeze %dma_wait3A_43 : memref<1x640x128xf32, #tpu.memory_space<hbm>> -> memref<640x128xf32, #tpu.memory_space<hbm>>
      %dma_wait3A_45 = arith.constant 0 : i32
      %dma_wait3A_46 = tpu.memref_slice %arg10[%mul3A_36, %dma_wait3A_45] : memref<10240x128xf32, #tpu.memory_space<vmem_shared>> -> memref<640x128xf32, #tpu.memory_space<vmem_shared>>
      tpu.wait_dma2 semaphore(%run_scoped3A : memref<!tpu.dma_semaphore, #tpu.memory_space<semaphore_mem>>) src(%dma_wait3A_46 : memref<640x128xf32, #tpu.memory_space<vmem_shared>>) dst(%dma_wait3A_44 : memref<640x128xf32, #tpu.memory_space<hbm>>)
      tpu.yield
    }) : () -> ()
    return
  }
}

#map = affine_map<(d0, d1) -> (0, 0, 0)>
#map1 = affine_map<(d0, d1) -> (0, 0)>
module attributes {stable_mosaic.version = 14 : i64} {
  func.func @_scat_body(%arg0: i32, %arg1: i32, %arg2: memref<32x80x128xi32, #tpu.memory_space<hbm>>, %arg3: memref<32x80x128xi32, #tpu.memory_space<hbm>>, %arg4: memref<10240x128xf32, #tpu.memory_space<hbm>>, %arg5: memref<2x10240x128xf32, #tpu.memory_space<hbm>>, %arg6: memref<40x128xi32, #tpu.memory_space<vmem>>, %arg7: memref<40x128xi32, #tpu.memory_space<vmem>>, %arg8: memref<128x128xf32, #tpu.memory_space<vmem>>, %arg9: memref<128x128xf32, #tpu.memory_space<vmem>>, %arg10: memref<10240x128xf32, #tpu.memory_space<vmem_shared>>, %arg11: memref<!tpu.dma_semaphore, #tpu.memory_space<semaphore_mem>>, %arg12: memref<!tpu.dma_semaphore, #tpu.memory_space<semaphore_mem>>) attributes {dimension_semantics = [#tpu.dimension_semantics<core_parallel>, #tpu.dimension_semantics<subcore_parallel>], iteration_bounds = array<i64: 2, 16>, scalar_prefetch = 0 : i64, scratch_operands = 7 : i64, tpu.core_type = #tpu.core_type<sc_vector_subcore>, window_params = [{transform_indices = #map}, {transform_indices = #map}, {transform_indices = #map1}, {transform_indices = #map}]} {
    %mul3A = arith.constant 2 : i32
    %mul3A_0 = arith.muli %arg1, %mul3A : i32
    %add3A = arith.addi %mul3A_0, %arg0 : i32
    %scan3A = arith.constant 0 : i32
    %scan3A_1 = arith.constant 0 : i32
    %scan3A_2 = arith.constant 1024 : i32
    %scan3A_3 = arith.addi %scan3A_1, %scan3A_2 : i32
    %scan3A_4 = arith.constant 1 : i32
    %scan3A_5 = scf.for %scan3A_39 = %scan3A_1 to %scan3A_3 step %scan3A_4 iter_args(%scan3A_40 = %scan3A) -> (i32)  : i32 {
      %jit3A = arith.constant 8 : i32
      %div3A = arith.divsi %scan3A_39, %jit3A : i32
      %sign3A = arith.constant 0 : i32
      %sign3A_41 = arith.cmpi sgt, %scan3A_39, %sign3A : i32
      %sign3A_42 = arith.extui %sign3A_41 : i1 to i32
      %sign3A_43 = arith.constant 0 : i32
      %sign3A_44 = arith.cmpi slt, %scan3A_39, %sign3A_43 : i32
      %sign3A_45 = arith.extui %sign3A_44 : i1 to i32
      %sign3A_46 = arith.subi %sign3A_42, %sign3A_45 : i32
      %sign3A_47 = arith.constant 0 : i32
      %sign3A_48 = arith.cmpi sgt, %jit3A, %sign3A_47 : i32
      %sign3A_49 = arith.extui %sign3A_48 : i1 to i32
      %sign3A_50 = arith.constant 0 : i32
      %sign3A_51 = arith.cmpi slt, %jit3A, %sign3A_50 : i32
      %sign3A_52 = arith.extui %sign3A_51 : i1 to i32
      %sign3A_53 = arith.subi %sign3A_49, %sign3A_52 : i32
      %ne3A = arith.cmpi ne, %sign3A_46, %sign3A_53 : i32
      %rem3A = arith.remsi %scan3A_39, %jit3A : i32
      %ne3A_54 = arith.constant 0 : i32
      %ne3A_55 = arith.cmpi ne, %rem3A, %ne3A_54 : i32
      %and3A = arith.andi %ne3A, %ne3A_55 : i1
      %sub3A = arith.constant 1 : i32
      %sub3A_56 = arith.subi %div3A, %sub3A : i32
      %select_n3A = arith.select %and3A, %sub3A_56, %div3A : i32
      %jit3A_57 = arith.constant 8 : i32
      %eq3A = arith.constant 0 : i32
      %eq3A_58 = arith.cmpi eq, %jit3A_57, %eq3A : i32
      %jit3A_59 = arith.constant 1 : i32
      %select_n3A_60 = arith.select %eq3A_58, %jit3A_59, %jit3A_57 : i32
      %rem3A_61 = arith.remsi %scan3A_39, %select_n3A_60 : i32
      %ne3A_62 = arith.constant 0 : i32
      %ne3A_63 = arith.cmpi ne, %rem3A_61, %ne3A_62 : i32
      %lt3A = arith.constant 0 : i32
      %lt3A_64 = arith.cmpi slt, %rem3A_61, %lt3A : i32
      %lt3A_65 = arith.constant 0 : i32
      %lt3A_66 = arith.cmpi slt, %select_n3A_60, %lt3A_65 : i32
      %ne3A_67 = arith.xori %lt3A_64, %lt3A_66 : i1
      %and3A_68 = arith.andi %ne3A_67, %ne3A_63 : i1
      %add3A_69 = arith.addi %rem3A_61, %select_n3A_60 : i32
      %select_n3A_70 = arith.select %and3A_68, %add3A_69, %rem3A_61 : i32
      %broadcast_in_dim3A = arith.constant 0.000000e+00 : f32
      %broadcast_in_dim3A_71 = vector.broadcast %broadcast_in_dim3A : f32 to vector<16xf32>
      %mul3A_72 = arith.constant 16 : i32
      %mul3A_73 = arith.muli %select_n3A_70, %mul3A_72 : i32
      %swap3A = arith.index_cast %select_n3A : i32 to index
      %swap3A_74 = arith.index_cast %mul3A_73 : i32 to index
      %swap3A_75 = tpu.vector_load %arg8[%swap3A, %swap3A_74] {strides = array<i32>} : memref<128x128xf32, #tpu.memory_space<vmem>>, vector<1x16xf32>,
      %swap3A_76 = vector.shape_cast %swap3A_75 : vector<1x16xf32> to vector<16xf32>
      %swap3A_77 = vector.shape_cast %broadcast_in_dim3A_71 : vector<16xf32> to vector<1x16xf32>
      tpu.vector_store %arg8[%swap3A, %swap3A_74], %swap3A_77 {strides = array<i32>} : memref<128x128xf32, #tpu.memory_space<vmem>>, vector<1x16xf32>,
      %scan3A_78 = arith.constant 0 : i32
      scf.yield %scan3A_78 : i32
    }
    %scan3A_6 = arith.constant 1024 : i32
    %mul3A_7 = arith.constant 640 : i32
    %mul3A_8 = arith.muli %arg1, %mul3A_7 : i32
    %add3A_9 = arith.constant 0 : i32
    %add3A_10 = arith.addi %mul3A_8, %add3A_9 : i32
    "tpu.region"() ({
      %run_scoped3A = tpu.sem_alloc : memref<!tpu.dma_semaphore, #tpu.memory_space<semaphore_mem>>
      %dma_start3A = arith.constant 0 : i32
      %dma_start3A_39 = tpu.memref_slice %arg10[%add3A_10, %dma_start3A] : memref<10240x128xf32, #tpu.memory_space<vmem_shared>> -> memref<128x128xf32, #tpu.memory_space<vmem_shared>>
      %dma_start3A_40 = arith.constant 0 : i32
      %dma_start3A_41 = tpu.memref_slice %arg10[%add3A_10, %dma_start3A_40] : memref<10240x128xf32, #tpu.memory_space<vmem_shared>> -> memref<128x128xf32, #tpu.memory_space<vmem_shared>>
      tpu.enqueue_dma source(%arg8 : memref<128x128xf32, #tpu.memory_space<vmem>>) target(%dma_start3A_41 : memref<128x128xf32, #tpu.memory_space<vmem_shared>>) target_semaphore(%run_scoped3A : memref<!tpu.dma_semaphore, #tpu.memory_space<semaphore_mem>>)
      %dma_wait3A = arith.constant 0 : i32
      %dma_wait3A_42 = tpu.memref_slice %arg10[%add3A_10, %dma_wait3A] : memref<10240x128xf32, #tpu.memory_space<vmem_shared>> -> memref<128x128xf32, #tpu.memory_space<vmem_shared>>
      %dma_wait3A_43 = arith.constant 0 : i32
      %dma_wait3A_44 = tpu.memref_slice %arg10[%add3A_10, %dma_wait3A_43] : memref<10240x128xf32, #tpu.memory_space<vmem_shared>> -> memref<128x128xf32, #tpu.memory_space<vmem_shared>>
      tpu.wait_dma2 semaphore(%run_scoped3A : memref<!tpu.dma_semaphore, #tpu.memory_space<semaphore_mem>>) src(%arg8 : memref<128x128xf32, #tpu.memory_space<vmem>>) dst(%dma_wait3A_44 : memref<128x128xf32, #tpu.memory_space<vmem_shared>>)
      tpu.yield
    }) : () -> ()
    %mul3A_11 = arith.constant 640 : i32
    %mul3A_12 = arith.muli %arg1, %mul3A_11 : i32
    %add3A_13 = arith.constant 128 : i32
    %add3A_14 = arith.addi %mul3A_12, %add3A_13 : i32
    "tpu.region"() ({
      %run_scoped3A = tpu.sem_alloc : memref<!tpu.dma_semaphore, #tpu.memory_space<semaphore_mem>>
      %dma_start3A = arith.constant 0 : i32
      %dma_start3A_39 = tpu.memref_slice %arg10[%add3A_14, %dma_start3A] : memref<10240x128xf32, #tpu.memory_space<vmem_shared>> -> memref<128x128xf32, #tpu.memory_space<vmem_shared>>
      %dma_start3A_40 = arith.constant 0 : i32
      %dma_start3A_41 = tpu.memref_slice %arg10[%add3A_14, %dma_start3A_40] : memref<10240x128xf32, #tpu.memory_space<vmem_shared>> -> memref<128x128xf32, #tpu.memory_space<vmem_shared>>
      tpu.enqueue_dma source(%arg8 : memref<128x128xf32, #tpu.memory_space<vmem>>) target(%dma_start3A_41 : memref<128x128xf32, #tpu.memory_space<vmem_shared>>) target_semaphore(%run_scoped3A : memref<!tpu.dma_semaphore, #tpu.memory_space<semaphore_mem>>)
      %dma_wait3A = arith.constant 0 : i32
      %dma_wait3A_42 = tpu.memref_slice %arg10[%add3A_14, %dma_wait3A] : memref<10240x128xf32, #tpu.memory_space<vmem_shared>> -> memref<128x128xf32, #tpu.memory_space<vmem_shared>>
      %dma_wait3A_43 = arith.constant 0 : i32
      %dma_wait3A_44 = tpu.memref_slice %arg10[%add3A_14, %dma_wait3A_43] : memref<10240x128xf32, #tpu.memory_space<vmem_shared>> -> memref<128x128xf32, #tpu.memory_space<vmem_shared>>
      tpu.wait_dma2 semaphore(%run_scoped3A : memref<!tpu.dma_semaphore, #tpu.memory_space<semaphore_mem>>) src(%arg8 : memref<128x128xf32, #tpu.memory_space<vmem>>) dst(%dma_wait3A_44 : memref<128x128xf32, #tpu.memory_space<vmem_shared>>)
      tpu.yield
    }) : () -> ()
    %mul3A_15 = arith.constant 640 : i32
    %mul3A_16 = arith.muli %arg1, %mul3A_15 : i32
    %add3A_17 = arith.constant 256 : i32
    %add3A_18 = arith.addi %mul3A_16, %add3A_17 : i32
    "tpu.region"() ({
      %run_scoped3A = tpu.sem_alloc : memref<!tpu.dma_semaphore, #tpu.memory_space<semaphore_mem>>
      %dma_start3A = arith.constant 0 : i32
      %dma_start3A_39 = tpu.memref_slice %arg10[%add3A_18, %dma_start3A] : memref<10240x128xf32, #tpu.memory_space<vmem_shared>> -> memref<128x128xf32, #tpu.memory_space<vmem_shared>>
      %dma_start3A_40 = arith.constant 0 : i32
      %dma_start3A_41 = tpu.memref_slice %arg10[%add3A_18, %dma_start3A_40] : memref<10240x128xf32, #tpu.memory_space<vmem_shared>> -> memref<128x128xf32, #tpu.memory_space<vmem_shared>>
      tpu.enqueue_dma source(%arg8 : memref<128x128xf32, #tpu.memory_space<vmem>>) target(%dma_start3A_41 : memref<128x128xf32, #tpu.memory_space<vmem_shared>>) target_semaphore(%run_scoped3A : memref<!tpu.dma_semaphore, #tpu.memory_space<semaphore_mem>>)
      %dma_wait3A = arith.constant 0 : i32
      %dma_wait3A_42 = tpu.memref_slice %arg10[%add3A_18, %dma_wait3A] : memref<10240x128xf32, #tpu.memory_space<vmem_shared>> -> memref<128x128xf32, #tpu.memory_space<vmem_shared>>
      %dma_wait3A_43 = arith.constant 0 : i32
      %dma_wait3A_44 = tpu.memref_slice %arg10[%add3A_18, %dma_wait3A_43] : memref<10240x128xf32, #tpu.memory_space<vmem_shared>> -> memref<128x128xf32, #tpu.memory_space<vmem_shared>>
      tpu.wait_dma2 semaphore(%run_scoped3A : memref<!tpu.dma_semaphore, #tpu.memory_space<semaphore_mem>>) src(%arg8 : memref<128x128xf32, #tpu.memory_space<vmem>>) dst(%dma_wait3A_44 : memref<128x128xf32, #tpu.memory_space<vmem_shared>>)
      tpu.yield
    }) : () -> ()
    %mul3A_19 = arith.constant 640 : i32
    %mul3A_20 = arith.muli %arg1, %mul3A_19 : i32
    %add3A_21 = arith.constant 384 : i32
    %add3A_22 = arith.addi %mul3A_20, %add3A_21 : i32
    "tpu.region"() ({
      %run_scoped3A = tpu.sem_alloc : memref<!tpu.dma_semaphore, #tpu.memory_space<semaphore_mem>>
      %dma_start3A = arith.constant 0 : i32
      %dma_start3A_39 = tpu.memref_slice %arg10[%add3A_22, %dma_start3A] : memref<10240x128xf32, #tpu.memory_space<vmem_shared>> -> memref<128x128xf32, #tpu.memory_space<vmem_shared>>
      %dma_start3A_40 = arith.constant 0 : i32
      %dma_start3A_41 = tpu.memref_slice %arg10[%add3A_22, %dma_start3A_40] : memref<10240x128xf32, #tpu.memory_space<vmem_shared>> -> memref<128x128xf32, #tpu.memory_space<vmem_shared>>
      tpu.enqueue_dma source(%arg8 : memref<128x128xf32, #tpu.memory_space<vmem>>) target(%dma_start3A_41 : memref<128x128xf32, #tpu.memory_space<vmem_shared>>) target_semaphore(%run_scoped3A : memref<!tpu.dma_semaphore, #tpu.memory_space<semaphore_mem>>)
      %dma_wait3A = arith.constant 0 : i32
      %dma_wait3A_42 = tpu.memref_slice %arg10[%add3A_22, %dma_wait3A] : memref<10240x128xf32, #tpu.memory_space<vmem_shared>> -> memref<128x128xf32, #tpu.memory_space<vmem_shared>>
      %dma_wait3A_43 = arith.constant 0 : i32
      %dma_wait3A_44 = tpu.memref_slice %arg10[%add3A_22, %dma_wait3A_43] : memref<10240x128xf32, #tpu.memory_space<vmem_shared>> -> memref<128x128xf32, #tpu.memory_space<vmem_shared>>
      tpu.wait_dma2 semaphore(%run_scoped3A : memref<!tpu.dma_semaphore, #tpu.memory_space<semaphore_mem>>) src(%arg8 : memref<128x128xf32, #tpu.memory_space<vmem>>) dst(%dma_wait3A_44 : memref<128x128xf32, #tpu.memory_space<vmem_shared>>)
      tpu.yield
    }) : () -> ()
    %mul3A_23 = arith.constant 640 : i32
    %mul3A_24 = arith.muli %arg1, %mul3A_23 : i32
    %add3A_25 = arith.constant 512 : i32
    %add3A_26 = arith.addi %mul3A_24, %add3A_25 : i32
    "tpu.region"() ({
      %run_scoped3A = tpu.sem_alloc : memref<!tpu.dma_semaphore, #tpu.memory_space<semaphore_mem>>
      %dma_start3A = arith.constant 0 : i32
      %dma_start3A_39 = tpu.memref_slice %arg10[%add3A_26, %dma_start3A] : memref<10240x128xf32, #tpu.memory_space<vmem_shared>> -> memref<128x128xf32, #tpu.memory_space<vmem_shared>>
      %dma_start3A_40 = arith.constant 0 : i32
      %dma_start3A_41 = tpu.memref_slice %arg10[%add3A_26, %dma_start3A_40] : memref<10240x128xf32, #tpu.memory_space<vmem_shared>> -> memref<128x128xf32, #tpu.memory_space<vmem_shared>>
      tpu.enqueue_dma source(%arg8 : memref<128x128xf32, #tpu.memory_space<vmem>>) target(%dma_start3A_41 : memref<128x128xf32, #tpu.memory_space<vmem_shared>>) target_semaphore(%run_scoped3A : memref<!tpu.dma_semaphore, #tpu.memory_space<semaphore_mem>>)
      %dma_wait3A = arith.constant 0 : i32
      %dma_wait3A_42 = tpu.memref_slice %arg10[%add3A_26, %dma_wait3A] : memref<10240x128xf32, #tpu.memory_space<vmem_shared>> -> memref<128x128xf32, #tpu.memory_space<vmem_shared>>
      %dma_wait3A_43 = arith.constant 0 : i32
      %dma_wait3A_44 = tpu.memref_slice %arg10[%add3A_26, %dma_wait3A_43] : memref<10240x128xf32, #tpu.memory_space<vmem_shared>> -> memref<128x128xf32, #tpu.memory_space<vmem_shared>>
      tpu.wait_dma2 semaphore(%run_scoped3A : memref<!tpu.dma_semaphore, #tpu.memory_space<semaphore_mem>>) src(%arg8 : memref<128x128xf32, #tpu.memory_space<vmem>>) dst(%dma_wait3A_44 : memref<128x128xf32, #tpu.memory_space<vmem_shared>>)
      tpu.yield
    }) : () -> ()
    %barrier3A = arith.constant 0 : index
    tpu.barrier barrier_id(%barrier3A)
    %scan3A_27 = arith.constant 0 : i32
    %scan3A_28 = arith.constant 0 : i32
    %scan3A_29 = arith.constant 2 : i32
    %scan3A_30 = arith.addi %scan3A_28, %scan3A_29 : i32
    %scan3A_31 = arith.constant 1 : i32
    %scan3A_32 = scf.for %scan3A_39 = %scan3A_28 to %scan3A_30 step %scan3A_31 iter_args(%scan3A_40 = %scan3A_27) -> (i32)  : i32 {
      %mul3A_41 = arith.constant 40 : i32
      %mul3A_42 = arith.muli %scan3A_39, %mul3A_41 : i32
      "tpu.region"() ({
        %run_scoped3A = tpu.sem_alloc : memref<!tpu.dma_semaphore, #tpu.memory_space<semaphore_mem>>
        %dma_start3A_59 = arith.constant 0 : i32
        %dma_start3A_60 = tpu.memref_slice %arg2[%add3A, %mul3A_42, %dma_start3A_59] : memref<32x80x128xi32, #tpu.memory_space<hbm>> -> memref<1x40x128xi32, #tpu.memory_space<hbm>>
        %dma_start3A_61 = tpu.memref_squeeze %dma_start3A_60 : memref<1x40x128xi32, #tpu.memory_space<hbm>> -> memref<40x128xi32, #tpu.memory_space<hbm>>
        %dma_start3A_62 = arith.constant 0 : i32
        %dma_start3A_63 = tpu.memref_slice %arg2[%add3A, %mul3A_42, %dma_start3A_62] : memref<32x80x128xi32, #tpu.memory_space<hbm>> -> memref<1x40x128xi32, #tpu.memory_space<hbm>>
        %dma_start3A_64 = tpu.memref_squeeze %dma_start3A_63 : memref<1x40x128xi32, #tpu.memory_space<hbm>> -> memref<40x128xi32, #tpu.memory_space<hbm>>
        tpu.enqueue_dma source(%dma_start3A_64 : memref<40x128xi32, #tpu.memory_space<hbm>>) target(%arg6 : memref<40x128xi32, #tpu.memory_space<vmem>>) target_semaphore(%run_scoped3A : memref<!tpu.dma_semaphore, #tpu.memory_space<semaphore_mem>>)
        %dma_wait3A = arith.constant 0 : i32
        %dma_wait3A_65 = tpu.memref_slice %arg2[%add3A, %mul3A_42, %dma_wait3A] : memref<32x80x128xi32, #tpu.memory_space<hbm>> -> memref<1x40x128xi32, #tpu.memory_space<hbm>>
        %dma_wait3A_66 = tpu.memref_squeeze %dma_wait3A_65 : memref<1x40x128xi32, #tpu.memory_space<hbm>> -> memref<40x128xi32, #tpu.memory_space<hbm>>
        %dma_wait3A_67 = arith.constant 0 : i32
        %dma_wait3A_68 = tpu.memref_slice %arg2[%add3A, %mul3A_42, %dma_wait3A_67] : memref<32x80x128xi32, #tpu.memory_space<hbm>> -> memref<1x40x128xi32, #tpu.memory_space<hbm>>
        %dma_wait3A_69 = tpu.memref_squeeze %dma_wait3A_68 : memref<1x40x128xi32, #tpu.memory_space<hbm>> -> memref<40x128xi32, #tpu.memory_space<hbm>>
        tpu.wait_dma2 semaphore(%run_scoped3A : memref<!tpu.dma_semaphore, #tpu.memory_space<semaphore_mem>>) src(%dma_wait3A_69 : memref<40x128xi32, #tpu.memory_space<hbm>>) dst(%arg6 : memref<40x128xi32, #tpu.memory_space<vmem>>)
        tpu.yield
      }) : () -> ()
      %mul3A_43 = arith.constant 40 : i32
      %mul3A_44 = arith.muli %scan3A_39, %mul3A_43 : i32
      "tpu.region"() ({
        %run_scoped3A = tpu.sem_alloc : memref<!tpu.dma_semaphore, #tpu.memory_space<semaphore_mem>>
        %dma_start3A_59 = arith.constant 0 : i32
        %dma_start3A_60 = tpu.memref_slice %arg3[%add3A, %mul3A_44, %dma_start3A_59] : memref<32x80x128xi32, #tpu.memory_space<hbm>> -> memref<1x40x128xi32, #tpu.memory_space<hbm>>
        %dma_start3A_61 = tpu.memref_squeeze %dma_start3A_60 : memref<1x40x128xi32, #tpu.memory_space<hbm>> -> memref<40x128xi32, #tpu.memory_space<hbm>>
        %dma_start3A_62 = arith.constant 0 : i32
        %dma_start3A_63 = tpu.memref_slice %arg3[%add3A, %mul3A_44, %dma_start3A_62] : memref<32x80x128xi32, #tpu.memory_space<hbm>> -> memref<1x40x128xi32, #tpu.memory_space<hbm>>
        %dma_start3A_64 = tpu.memref_squeeze %dma_start3A_63 : memref<1x40x128xi32, #tpu.memory_space<hbm>> -> memref<40x128xi32, #tpu.memory_space<hbm>>
        tpu.enqueue_dma source(%dma_start3A_64 : memref<40x128xi32, #tpu.memory_space<hbm>>) target(%arg7 : memref<40x128xi32, #tpu.memory_space<vmem>>) target_semaphore(%run_scoped3A : memref<!tpu.dma_semaphore, #tpu.memory_space<semaphore_mem>>)
        %dma_wait3A = arith.constant 0 : i32
        %dma_wait3A_65 = tpu.memref_slice %arg3[%add3A, %mul3A_44, %dma_wait3A] : memref<32x80x128xi32, #tpu.memory_space<hbm>> -> memref<1x40x128xi32, #tpu.memory_space<hbm>>
        %dma_wait3A_66 = tpu.memref_squeeze %dma_wait3A_65 : memref<1x40x128xi32, #tpu.memory_space<hbm>> -> memref<40x128xi32, #tpu.memory_space<hbm>>
        %dma_wait3A_67 = arith.constant 0 : i32
        %dma_wait3A_68 = tpu.memref_slice %arg3[%add3A, %mul3A_44, %dma_wait3A_67] : memref<32x80x128xi32, #tpu.memory_space<hbm>> -> memref<1x40x128xi32, #tpu.memory_space<hbm>>
        %dma_wait3A_69 = tpu.memref_squeeze %dma_wait3A_68 : memref<1x40x128xi32, #tpu.memory_space<hbm>> -> memref<40x128xi32, #tpu.memory_space<hbm>>
        tpu.wait_dma2 semaphore(%run_scoped3A : memref<!tpu.dma_semaphore, #tpu.memory_space<semaphore_mem>>) src(%dma_wait3A_69 : memref<40x128xi32, #tpu.memory_space<hbm>>) dst(%arg7 : memref<40x128xi32, #tpu.memory_space<vmem>>)
        tpu.yield
      }) : () -> ()
      %dma_start3A = arith.constant 0 : i32
      %dma_start3A_45 = arith.constant 0 : i32
      %dma_start3A_46 = tpu.memref_slice %arg6[%dma_start3A, %dma_start3A_45] : memref<40x128xi32, #tpu.memory_space<vmem>> -> memref<1x128xi32, #tpu.memory_space<vmem>>
      %dma_start3A_47 = tpu.memref_squeeze %dma_start3A_46 : memref<1x128xi32, #tpu.memory_space<vmem>> -> memref<128xi32, #tpu.memory_space<vmem>>
      %dma_start3A_48 = arith.constant 0 : i32
      %dma_start3A_49 = arith.constant 0 : i32
      %dma_start3A_50 = tpu.memref_slice %arg4[%dma_start3A_48, %dma_start3A_49] : memref<10240x128xf32, #tpu.memory_space<hbm>> -> memref<10240x128xf32, #tpu.memory_space<hbm>>
      tpu.enqueue_indirect_dma source(%dma_start3A_50 : memref<10240x128xf32, #tpu.memory_space<hbm>>) target(%arg8 : memref<128x128xf32, #tpu.memory_space<vmem>>) offsets(%dma_start3A_47 : memref<128xi32, #tpu.memory_space<vmem>>) semaphore(%arg11 : memref<!tpu.dma_semaphore, #tpu.memory_space<semaphore_mem>>)
      %scan3A_51 = arith.constant 0 : i32
      %scan3A_52 = arith.constant 0 : i32
      %scan3A_53 = arith.constant 20 : i32
      %scan3A_54 = arith.addi %scan3A_52, %scan3A_53 : i32
      %scan3A_55 = arith.constant 1 : i32
      %scan3A_56 = scf.for %scan3A_59 = %scan3A_52 to %scan3A_54 step %scan3A_55 iter_args(%scan3A_60 = %scan3A_51) -> (i32)  : i32 {
        %mul3A_61 = arith.constant 2 : i32
        %mul3A_62 = arith.muli %mul3A_61, %scan3A_59 : i32
        %add3A_63 = arith.constant 1 : i32
        %add3A_64 = arith.addi %mul3A_62, %add3A_63 : i32
        %dma_start3A_65 = arith.constant 0 : i32
        %dma_start3A_66 = tpu.memref_slice %arg6[%add3A_64, %dma_start3A_65] : memref<40x128xi32, #tpu.memory_space<vmem>> -> memref<1x128xi32, #tpu.memory_space<vmem>>
        %dma_start3A_67 = tpu.memref_squeeze %dma_start3A_66 : memref<1x128xi32, #tpu.memory_space<vmem>> -> memref<128xi32, #tpu.memory_space<vmem>>
        %dma_start3A_68 = arith.constant 0 : i32
        %dma_start3A_69 = arith.constant 0 : i32
        %dma_start3A_70 = tpu.memref_slice %arg4[%dma_start3A_68, %dma_start3A_69] : memref<10240x128xf32, #tpu.memory_space<hbm>> -> memref<10240x128xf32, #tpu.memory_space<hbm>>
        tpu.enqueue_indirect_dma source(%dma_start3A_70 : memref<10240x128xf32, #tpu.memory_space<hbm>>) target(%arg9 : memref<128x128xf32, #tpu.memory_space<vmem>>) offsets(%dma_start3A_67 : memref<128xi32, #tpu.memory_space<vmem>>) semaphore(%arg12 : memref<!tpu.dma_semaphore, #tpu.memory_space<semaphore_mem>>)
        %mul3A_71 = arith.constant 2 : i32
        %mul3A_72 = arith.muli %mul3A_71, %scan3A_59 : i32
        %dma_wait3A = arith.constant 0 : i32
        %dma_wait3A_73 = tpu.memref_slice %arg6[%mul3A_72, %dma_wait3A] : memref<40x128xi32, #tpu.memory_space<vmem>> -> memref<1x128xi32, #tpu.memory_space<vmem>>
        %dma_wait3A_74 = tpu.memref_squeeze %dma_wait3A_73 : memref<1x128xi32, #tpu.memory_space<vmem>> -> memref<128xi32, #tpu.memory_space<vmem>>
        %dma_wait3A_75 = arith.constant 0 : i32
        %dma_wait3A_76 = arith.constant 0 : i32
        %dma_wait3A_77 = tpu.memref_slice %arg4[%dma_wait3A_75, %dma_wait3A_76] : memref<10240x128xf32, #tpu.memory_space<hbm>> -> memref<10240x128xf32, #tpu.memory_space<hbm>>
        tpu.wait_indirect_dma semaphore(%arg11 : memref<!tpu.dma_semaphore, #tpu.memory_space<semaphore_mem>>) src(%dma_wait3A_77 : memref<10240x128xf32, #tpu.memory_space<hbm>>) dst(%arg8 : memref<128x128xf32, #tpu.memory_space<vmem>>)
        %mul3A_78 = arith.constant 2 : i32
        %mul3A_79 = arith.muli %mul3A_78, %scan3A_59 : i32
        "tpu.region"() ({
          %run_scoped3A = tpu.sem_alloc : memref<!tpu.dma_semaphore, #tpu.memory_space<semaphore_mem>>
          %dma_start3A_97 = arith.constant 0 : i32
          %dma_start3A_98 = tpu.memref_slice %arg7[%mul3A_79, %dma_start3A_97] : memref<40x128xi32, #tpu.memory_space<vmem>> -> memref<1x128xi32, #tpu.memory_space<vmem>>
          %dma_start3A_99 = tpu.memref_squeeze %dma_start3A_98 : memref<1x128xi32, #tpu.memory_space<vmem>> -> memref<128xi32, #tpu.memory_space<vmem>>
          %dma_start3A_100 = arith.constant 0 : i32
          %dma_start3A_101 = arith.constant 0 : i32
          %dma_start3A_102 = tpu.memref_slice %arg10[%dma_start3A_100, %dma_start3A_101] : memref<10240x128xf32, #tpu.memory_space<vmem_shared>> -> memref<10240x128xf32, #tpu.memory_space<vmem_shared>>
          tpu.enqueue_indirect_dma source(%arg8 : memref<128x128xf32, #tpu.memory_space<vmem>>) target(%dma_start3A_102 : memref<10240x128xf32, #tpu.memory_space<vmem_shared>>) offsets(%dma_start3A_99 : memref<128xi32, #tpu.memory_space<vmem>>) semaphore(%run_scoped3A : memref<!tpu.dma_semaphore, #tpu.memory_space<semaphore_mem>>) {add = true}
          %dma_wait3A_103 = arith.constant 0 : i32
          %dma_wait3A_104 = tpu.memref_slice %arg7[%mul3A_79, %dma_wait3A_103] : memref<40x128xi32, #tpu.memory_space<vmem>> -> memref<1x128xi32, #tpu.memory_space<vmem>>
          %dma_wait3A_105 = tpu.memref_squeeze %dma_wait3A_104 : memref<1x128xi32, #tpu.memory_space<vmem>> -> memref<128xi32, #tpu.memory_space<vmem>>
          %dma_wait3A_106 = arith.constant 0 : i32
          %dma_wait3A_107 = arith.constant 0 : i32
          %dma_wait3A_108 = tpu.memref_slice %arg10[%dma_wait3A_106, %dma_wait3A_107] : memref<10240x128xf32, #tpu.memory_space<vmem_shared>> -> memref<10240x128xf32, #tpu.memory_space<vmem_shared>>
          tpu.wait_indirect_dma semaphore(%run_scoped3A : memref<!tpu.dma_semaphore, #tpu.memory_space<semaphore_mem>>) src(%arg8 : memref<128x128xf32, #tpu.memory_space<vmem>>) dst(%dma_wait3A_108 : memref<10240x128xf32, #tpu.memory_space<vmem_shared>>)
          tpu.yield
        }) : () -> ()
        %lt3A = arith.constant 19 : i32
        %lt3A_80 = arith.cmpi slt, %scan3A_59, %lt3A : i32
        %convert_element_type3A = arith.extui %lt3A_80 : i1 to i32
        %cond3A = arith.constant 0 : i32
        %cond3A_81 = arith.cmpi ne, %convert_element_type3A, %cond3A : i32
        scf.if %cond3A_81 {
          %mul3A_97 = arith.constant 2 : i32
          %mul3A_98 = arith.muli %mul3A_97, %scan3A_59 : i32
          %add3A_99 = arith.constant 2 : i32
          %add3A_100 = arith.addi %mul3A_98, %add3A_99 : i32
          %dma_start3A_101 = arith.constant 0 : i32
          %dma_start3A_102 = tpu.memref_slice %arg6[%add3A_100, %dma_start3A_101] : memref<40x128xi32, #tpu.memory_space<vmem>> -> memref<1x128xi32, #tpu.memory_space<vmem>>
          %dma_start3A_103 = tpu.memref_squeeze %dma_start3A_102 : memref<1x128xi32, #tpu.memory_space<vmem>> -> memref<128xi32, #tpu.memory_space<vmem>>
          %dma_start3A_104 = arith.constant 0 : i32
          %dma_start3A_105 = arith.constant 0 : i32
          %dma_start3A_106 = tpu.memref_slice %arg4[%dma_start3A_104, %dma_start3A_105] : memref<10240x128xf32, #tpu.memory_space<hbm>> -> memref<10240x128xf32, #tpu.memory_space<hbm>>
          tpu.enqueue_indirect_dma source(%dma_start3A_106 : memref<10240x128xf32, #tpu.memory_space<hbm>>) target(%arg8 : memref<128x128xf32, #tpu.memory_space<vmem>>) offsets(%dma_start3A_103 : memref<128xi32, #tpu.memory_space<vmem>>) semaphore(%arg11 : memref<!tpu.dma_semaphore, #tpu.memory_space<semaphore_mem>>)
        } else {
        }
        %mul3A_82 = arith.constant 2 : i32
        %mul3A_83 = arith.muli %mul3A_82, %scan3A_59 : i32
        %add3A_84 = arith.constant 1 : i32
        %add3A_85 = arith.addi %mul3A_83, %add3A_84 : i32
        %dma_wait3A_86 = arith.constant 0 : i32
        %dma_wait3A_87 = tpu.memref_slice %arg6[%add3A_85, %dma_wait3A_86] : memref<40x128xi32, #tpu.memory_space<vmem>> -> memref<1x128xi32, #tpu.memory_space<vmem>>
        %dma_wait3A_88 = tpu.memref_squeeze %dma_wait3A_87 : memref<1x128xi32, #tpu.memory_space<vmem>> -> memref<128xi32, #tpu.memory_space<vmem>>
        %dma_wait3A_89 = arith.constant 0 : i32
        %dma_wait3A_90 = arith.constant 0 : i32
        %dma_wait3A_91 = tpu.memref_slice %arg4[%dma_wait3A_89, %dma_wait3A_90] : memref<10240x128xf32, #tpu.memory_space<hbm>> -> memref<10240x128xf32, #tpu.memory_space<hbm>>
        tpu.wait_indirect_dma semaphore(%arg12 : memref<!tpu.dma_semaphore, #tpu.memory_space<semaphore_mem>>) src(%dma_wait3A_91 : memref<10240x128xf32, #tpu.memory_space<hbm>>) dst(%arg9 : memref<128x128xf32, #tpu.memory_space<vmem>>)
        %mul3A_92 = arith.constant 2 : i32
        %mul3A_93 = arith.muli %mul3A_92, %scan3A_59 : i32
        %add3A_94 = arith.constant 1 : i32
        %add3A_95 = arith.addi %mul3A_93, %add3A_94 : i32
        "tpu.region"() ({
          %run_scoped3A = tpu.sem_alloc : memref<!tpu.dma_semaphore, #tpu.memory_space<semaphore_mem>>
          %dma_start3A_97 = arith.constant 0 : i32
          %dma_start3A_98 = tpu.memref_slice %arg7[%add3A_95, %dma_start3A_97] : memref<40x128xi32, #tpu.memory_space<vmem>> -> memref<1x128xi32, #tpu.memory_space<vmem>>
          %dma_start3A_99 = tpu.memref_squeeze %dma_start3A_98 : memref<1x128xi32, #tpu.memory_space<vmem>> -> memref<128xi32, #tpu.memory_space<vmem>>
          %dma_start3A_100 = arith.constant 0 : i32
          %dma_start3A_101 = arith.constant 0 : i32
          %dma_start3A_102 = tpu.memref_slice %arg10[%dma_start3A_100, %dma_start3A_101] : memref<10240x128xf32, #tpu.memory_space<vmem_shared>> -> memref<10240x128xf32, #tpu.memory_space<vmem_shared>>
          tpu.enqueue_indirect_dma source(%arg9 : memref<128x128xf32, #tpu.memory_space<vmem>>) target(%dma_start3A_102 : memref<10240x128xf32, #tpu.memory_space<vmem_shared>>) offsets(%dma_start3A_99 : memref<128xi32, #tpu.memory_space<vmem>>) semaphore(%run_scoped3A : memref<!tpu.dma_semaphore, #tpu.memory_space<semaphore_mem>>) {add = true}
          %dma_wait3A_103 = arith.constant 0 : i32
          %dma_wait3A_104 = tpu.memref_slice %arg7[%add3A_95, %dma_wait3A_103] : memref<40x128xi32, #tpu.memory_space<vmem>> -> memref<1x128xi32, #tpu.memory_space<vmem>>
          %dma_wait3A_105 = tpu.memref_squeeze %dma_wait3A_104 : memref<1x128xi32, #tpu.memory_space<vmem>> -> memref<128xi32, #tpu.memory_space<vmem>>
          %dma_wait3A_106 = arith.constant 0 : i32
          %dma_wait3A_107 = arith.constant 0 : i32
          %dma_wait3A_108 = tpu.memref_slice %arg10[%dma_wait3A_106, %dma_wait3A_107] : memref<10240x128xf32, #tpu.memory_space<vmem_shared>> -> memref<10240x128xf32, #tpu.memory_space<vmem_shared>>
          tpu.wait_indirect_dma semaphore(%run_scoped3A : memref<!tpu.dma_semaphore, #tpu.memory_space<semaphore_mem>>) src(%arg9 : memref<128x128xf32, #tpu.memory_space<vmem>>) dst(%dma_wait3A_108 : memref<10240x128xf32, #tpu.memory_space<vmem_shared>>)
          tpu.yield
        }) : () -> ()
        %scan3A_96 = arith.constant 0 : i32
        scf.yield %scan3A_96 : i32
      }
      %scan3A_57 = arith.constant 20 : i32
      %scan3A_58 = arith.constant 0 : i32
      scf.yield %scan3A_58 : i32
    }
    %scan3A_33 = arith.constant 2 : i32
    %barrier3A_34 = arith.constant 0 : index
    tpu.barrier barrier_id(%barrier3A_34)
    %mul3A_35 = arith.constant 640 : i32
    %mul3A_36 = arith.muli %arg1, %mul3A_35 : i32
    %mul3A_37 = arith.constant 640 : i32
    %mul3A_38 = arith.muli %arg1, %mul3A_37 : i32
    "tpu.region"() ({
      %run_scoped3A = tpu.sem_alloc : memref<!tpu.dma_semaphore, #tpu.memory_space<semaphore_mem>>
      %dma_start3A = arith.constant 0 : i32
      %dma_start3A_39 = tpu.memref_slice %arg5[%arg0, %mul3A_38, %dma_start3A] : memref<2x10240x128xf32, #tpu.memory_space<hbm>> -> memref<1x640x128xf32, #tpu.memory_space<hbm>>
      %dma_start3A_40 = tpu.memref_squeeze %dma_start3A_39 : memref<1x640x128xf32, #tpu.memory_space<hbm>> -> memref<640x128xf32, #tpu.memory_space<hbm>>
      %dma_start3A_41 = arith.constant 0 : i32
      %dma_start3A_42 = tpu.memref_slice %arg10[%mul3A_36, %dma_start3A_41] : memref<10240x128xf32, #tpu.memory_space<vmem_shared>> -> memref<640x128xf32, #tpu.memory_space<vmem_shared>>
      tpu.enqueue_dma source(%dma_start3A_42 : memref<640x128xf32, #tpu.memory_space<vmem_shared>>) target(%dma_start3A_40 : memref<640x128xf32, #tpu.memory_space<hbm>>) target_semaphore(%run_scoped3A : memref<!tpu.dma_semaphore, #tpu.memory_space<semaphore_mem>>)
      %dma_wait3A = arith.constant 0 : i32
      %dma_wait3A_43 = tpu.memref_slice %arg5[%arg0, %mul3A_38, %dma_wait3A] : memref<2x10240x128xf32, #tpu.memory_space<hbm>> -> memref<1x640x128xf32, #tpu.memory_space<hbm>>
      %dma_wait3A_44 = tpu.memref_squeeze %dma_wait3A_43 : memref<1x640x128xf32, #tpu.memory_space<hbm>> -> memref<640x128xf32, #tpu.memory_space<hbm>>
      %dma_wait3A_45 = arith.constant 0 : i32
      %dma_wait3A_46 = tpu.memref_slice %arg10[%mul3A_36, %dma_wait3A_45] : memref<10240x128xf32, #tpu.memory_space<vmem_shared>> -> memref<640x128xf32, #tpu.memory_space<vmem_shared>>
      tpu.wait_dma2 semaphore(%run_scoped3A : memref<!tpu.dma_semaphore, #tpu.memory_space<semaphore_mem>>) src(%dma_wait3A_46 : memref<640x128xf32, #tpu.memory_space<vmem_shared>>) dst(%dma_wait3A_44 : memref<640x128xf32, #tpu.memory_space<hbm>>)
      tpu.yield
    }) : () -> ()
    return
  }
}

module attributes {stable_mosaic.version = 14 : i64} {
  func.func @_mm1_body(%arg0: i32, %arg1: memref<512x128xf32, #tpu.memory_space<vmem>>, %arg2: memref<128x128xf32, #tpu.memory_space<vmem>>, %arg3: memref<1x128xf32, #tpu.memory_space<vmem>>, %arg4: memref<128x128xf32, #tpu.memory_space<vmem>>, %arg5: memref<512x128xf32, #tpu.memory_space<vmem>>) attributes {dimension_semantics = [#tpu.dimension_semantics<arbitrary>], iteration_bounds = array<i64: 20>, scalar_prefetch = 0 : i64, scratch_operands = 0 : i64, tpu.core_type = #tpu.core_type<tc>, window_params = [{transform_indices = @transform_0, window_bounds = array<i64: 512, 128>}, {pipeline_mode = #tpu.pipeline_mode<synchronous>, transform_indices = @transform_1, window_bounds = array<i64: 128, 128>}, {pipeline_mode = #tpu.pipeline_mode<synchronous>, transform_indices = @transform_2, window_bounds = array<i64: 1, 128>}, {pipeline_mode = #tpu.pipeline_mode<synchronous>, transform_indices = @transform_3, window_bounds = array<i64: 128, 128>}, {transform_indices = @transform_4, window_bounds = array<i64: 512, 128>}]} {
    %get3A = arith.constant 0 : index
    %get3A_0 = arith.constant 0 : index
    %get3A_1 = vector.load %arg1[%get3A, %get3A_0] : memref<512x128xf32, #tpu.memory_space<vmem>>, vector<512x128xf32>
    %get3A_2 = arith.constant 0 : index
    %get3A_3 = arith.constant 0 : index
    %get3A_4 = vector.load %arg2[%get3A_2, %get3A_3] : memref<128x128xf32, #tpu.memory_space<vmem>>, vector<128x128xf32>
    %dot_general3A = arith.constant dense<0.000000e+00> : vector<512x128xf32>
    %dot_general3A_5 = tpu.matmul %get3A_1, %get3A_4, %dot_general3A {dimension_numbers = #tpu.dot_dimension_numbers<[1], [0], [0], [1], [0, 0, 1, 1], [], []>, transpose_lhs_hint = false} : vector<512x128xf32>, vector<128x128xf32>, vector<512x128xf32> -> vector<512x128xf32>
    %get3A_6 = arith.constant 0 : index
    %get3A_7 = arith.constant 0 : index
    %get3A_8 = vector.load %arg3[%get3A_6, %get3A_7] : memref<1x128xf32, #tpu.memory_space<vmem>>, vector<1x128xf32>
    %add3A = vector.broadcast %get3A_8 : vector<1x128xf32> to vector<512x128xf32>
    %add3A_9 = arith.addf %dot_general3A_5, %add3A : vector<512x128xf32>
    %max3A = arith.constant 0.000000e+00 : f32
    %max3A_10 = vector.broadcast %max3A : f32 to vector<512x128xf32>
    %max3A_11 = arith.maximumf %add3A_9, %max3A_10 : vector<512x128xf32>
    %get3A_12 = arith.constant 0 : index
    %get3A_13 = arith.constant 0 : index
    %get3A_14 = vector.load %arg4[%get3A_12, %get3A_13] : memref<128x128xf32, #tpu.memory_space<vmem>>, vector<128x128xf32>
    %dot_general3A_15 = arith.constant dense<0.000000e+00> : vector<512x128xf32>
    %dot_general3A_16 = tpu.matmul %max3A_11, %get3A_14, %dot_general3A_15 {dimension_numbers = #tpu.dot_dimension_numbers<[1], [0], [0], [1], [0, 0, 1, 1], [], []>, transpose_lhs_hint = false} : vector<512x128xf32>, vector<128x128xf32>, vector<512x128xf32> -> vector<512x128xf32>
    %swap3A = arith.constant 0 : index
    %swap3A_17 = arith.constant 0 : index
    %swap3A_18 = vector.load %arg5[%swap3A, %swap3A_17] : memref<512x128xf32, #tpu.memory_space<vmem>>, vector<512x128xf32>
    tpu.vector_store %arg5[%swap3A, %swap3A_17], %dot_general3A_16 {strides = array<i32>} : memref<512x128xf32, #tpu.memory_space<vmem>>, vector<512x128xf32>,
    return
  }
  func.func @transform_0(%arg0: i32) -> (i32, i32) {
    %c0_i32 = arith.constant 0 : i32
    %c0_i32_0 = arith.constant 0 : i32
    return %arg0, %c0_i32 : i32, i32
  }
  func.func @transform_1(%arg0: i32) -> (i32, i32) {
    %c0_i32 = arith.constant 0 : i32
    %c0_i32_0 = arith.constant 0 : i32
    %c0_i32_1 = arith.constant 0 : i32
    return %c0_i32, %c0_i32_0 : i32, i32
  }
  func.func @transform_2(%arg0: i32) -> (i32, i32) {
    %c0_i32 = arith.constant 0 : i32
    %c0_i32_0 = arith.constant 0 : i32
    %c0_i32_1 = arith.constant 0 : i32
    return %c0_i32, %c0_i32_0 : i32, i32
  }
  func.func @transform_3(%arg0: i32) -> (i32, i32) {
    %c0_i32 = arith.constant 0 : i32
    %c0_i32_0 = arith.constant 0 : i32
    %c0_i32_1 = arith.constant 0 : i32
    return %c0_i32, %c0_i32_0 : i32, i32
  }
  func.func @transform_4(%arg0: i32) -> (i32, i32) {
    %c0_i32 = arith.constant 0 : i32
    %c0_i32_0 = arith.constant 0 : i32
    return %arg0, %c0_i32 : i32, i32
  }
}

module attributes {stable_mosaic.version = 14 : i64} {
  func.func @_norm_body(%arg0: i32, %arg1: memref<1x512x128xf32, #tpu.memory_space<vmem>>, %arg2: memref<1x512x128xf32, #tpu.memory_space<vmem>>, %arg3: memref<512x128xf32, #tpu.memory_space<vmem>>, %arg4: memref<512x128xf32, #tpu.memory_space<vmem>>, %arg5: memref<512x128xf32, #tpu.memory_space<vmem>>) attributes {dimension_semantics = [#tpu.dimension_semantics<arbitrary>], iteration_bounds = array<i64: 20>, scalar_prefetch = 0 : i64, scratch_operands = 0 : i64, tpu.core_type = #tpu.core_type<tc>, window_params = [{transform_indices = @transform_0, window_bounds = array<i64: 1, 512, 128>}, {transform_indices = @transform_1, window_bounds = array<i64: 1, 512, 128>}, {transform_indices = @transform_2, window_bounds = array<i64: 512, 128>}, {transform_indices = @transform_3, window_bounds = array<i64: 512, 128>}, {transform_indices = @transform_4, window_bounds = array<i64: 512, 128>}]} {
    %get3A = arith.constant 0 : index
    %get3A_0 = arith.constant 0 : index
    %get3A_1 = arith.constant 0 : index
    %get3A_2 = vector.load %arg1[%get3A, %get3A_0, %get3A_1] : memref<1x512x128xf32, #tpu.memory_space<vmem>>, vector<1x512x1xf32>
    %get3A_3 = vector.shape_cast %get3A_2 : vector<1x512x1xf32> to vector<512x1xf32>
    %get3A_4 = arith.constant 0 : index
    %get3A_5 = arith.constant 0 : index
    %get3A_6 = arith.constant 0 : index
    %get3A_7 = vector.load %arg2[%get3A_4, %get3A_5, %get3A_6] : memref<1x512x128xf32, #tpu.memory_space<vmem>>, vector<1x512x1xf32>
    %get3A_8 = vector.shape_cast %get3A_7 : vector<1x512x1xf32> to vector<512x1xf32>
    %add3A = arith.addf %get3A_3, %get3A_8 : vector<512x1xf32>
    %iota3A = tpu.iota {dimensions = array<i32: 0>} : vector<512x1xi32>
    %mul3A = arith.constant 512 : i32
    %mul3A_9 = arith.muli %arg0, %mul3A : i32
    %add3A_10 = vector.broadcast %mul3A_9 : i32 to vector<512x1xi32>
    %add3A_11 = arith.addi %iota3A, %add3A_10 : vector<512x1xi32>
    %lt3A = arith.constant 10000 : i32
    %lt3A_12 = vector.broadcast %lt3A : i32 to vector<512x1xi32>
    %lt3A_13 = arith.cmpi slt, %add3A_11, %lt3A_12 : vector<512x1xi32>
    %add3A_14 = arith.constant 1.000000e+00 : f32
    %add3A_15 = vector.broadcast %add3A_14 : f32 to vector<512x1xf32>
    %add3A_16 = arith.addf %add3A, %add3A_15 : vector<512x1xf32>
    %rsqrt3A = math.rsqrt %add3A_16 : vector<512x1xf32>
    %jit3A = arith.constant 0.000000e+00 : f32
    %broadcast_in_dim3A = vector.broadcast %jit3A : f32 to vector<512x1xf32>
    %select_n3A = arith.select %lt3A_13, %rsqrt3A, %broadcast_in_dim3A : vector<512x1xi1>, vector<512x1xf32>
    %broadcast_in_dim3A_17 = vector.shape_cast %select_n3A : vector<512x1xf32> to vector<512x1xf32>
    %broadcast_in_dim3A_18 = vector.broadcast %broadcast_in_dim3A_17 : vector<512x1xf32> to vector<512x128xf32>
    %swap3A = arith.constant 0 : index
    %swap3A_19 = arith.constant 0 : index
    %swap3A_20 = vector.load %arg4[%swap3A, %swap3A_19] : memref<512x128xf32, #tpu.memory_space<vmem>>, vector<512x128xf32>
    tpu.vector_store %arg4[%swap3A, %swap3A_19], %broadcast_in_dim3A_18 {strides = array<i32>} : memref<512x128xf32, #tpu.memory_space<vmem>>, vector<512x128xf32>,
    %get3A_21 = arith.constant 0 : index
    %get3A_22 = arith.constant 0 : index
    %get3A_23 = vector.load %arg3[%get3A_21, %get3A_22] : memref<512x128xf32, #tpu.memory_space<vmem>>, vector<512x128xf32>
    %mul3A_24 = arith.mulf %broadcast_in_dim3A_18, %get3A_23 : vector<512x128xf32>
    %swap3A_25 = arith.constant 0 : index
    %swap3A_26 = arith.constant 0 : index
    %swap3A_27 = vector.load %arg5[%swap3A_25, %swap3A_26] : memref<512x128xf32, #tpu.memory_space<vmem>>, vector<512x128xf32>
    tpu.vector_store %arg5[%swap3A_25, %swap3A_26], %mul3A_24 {strides = array<i32>} : memref<512x128xf32, #tpu.memory_space<vmem>>, vector<512x128xf32>,
    return
  }
  func.func @transform_0(%arg0: i32) -> (i32, i32, i32) {
    %c0_i32 = arith.constant 0 : i32
    %c0_i32_0 = arith.constant 0 : i32
    %c0_i32_1 = arith.constant 0 : i32
    return %c0_i32, %arg0, %c0_i32_0 : i32, i32, i32
  }
  func.func @transform_1(%arg0: i32) -> (i32, i32, i32) {
    %c1_i32 = arith.constant 1 : i32
    %c0_i32 = arith.constant 0 : i32
    %c0_i32_0 = arith.constant 0 : i32
    return %c1_i32, %arg0, %c0_i32 : i32, i32, i32
  }
  func.func @transform_2(%arg0: i32) -> (i32, i32) {
    %c0_i32 = arith.constant 0 : i32
    %c0_i32_0 = arith.constant 0 : i32
    return %arg0, %c0_i32 : i32, i32
  }
  func.func @transform_3(%arg0: i32) -> (i32, i32) {
    %c0_i32 = arith.constant 0 : i32
    %c0_i32_0 = arith.constant 0 : i32
    return %arg0, %c0_i32 : i32, i32
  }
  func.func @transform_4(%arg0: i32) -> (i32, i32) {
    %c0_i32 = arith.constant 0 : i32
    %c0_i32_0 = arith.constant 0 : i32
    return %arg0, %c0_i32 : i32, i32
  }
}

module attributes {stable_mosaic.version = 14 : i64} {
  func.func @_layer_body(%arg0: i32, %arg1: memref<1x512x128xf32, #tpu.memory_space<vmem>>, %arg2: memref<1x512x128xf32, #tpu.memory_space<vmem>>, %arg3: memref<512x128xf32, #tpu.memory_space<vmem>>, %arg4: memref<512x128xf32, #tpu.memory_space<vmem>>, %arg5: memref<1x128xf32, #tpu.memory_space<vmem>>, %arg6: memref<128x128xf32, #tpu.memory_space<vmem>>, %arg7: memref<512x128xf32, #tpu.memory_space<vmem>>) attributes {dimension_semantics = [#tpu.dimension_semantics<arbitrary>], iteration_bounds = array<i64: 20>, scalar_prefetch = 0 : i64, scratch_operands = 0 : i64, tpu.core_type = #tpu.core_type<tc>, window_params = [{transform_indices = @transform_0, window_bounds = array<i64: 1, 512, 128>}, {transform_indices = @transform_1, window_bounds = array<i64: 1, 512, 128>}, {transform_indices = @transform_2, window_bounds = array<i64: 512, 128>}, {transform_indices = @transform_3, window_bounds = array<i64: 512, 128>}, {pipeline_mode = #tpu.pipeline_mode<synchronous>, transform_indices = @transform_4, window_bounds = array<i64: 1, 128>}, {pipeline_mode = #tpu.pipeline_mode<synchronous>, transform_indices = @transform_5, window_bounds = array<i64: 128, 128>}, {transform_indices = @transform_6, window_bounds = array<i64: 512, 128>}]} {
    %get3A = arith.constant 0 : index
    %get3A_0 = arith.constant 0 : index
    %get3A_1 = vector.load %arg4[%get3A, %get3A_0] : memref<512x128xf32, #tpu.memory_space<vmem>>, vector<512x128xf32>
    %get3A_2 = arith.constant 0 : index
    %get3A_3 = arith.constant 0 : index
    %get3A_4 = arith.constant 0 : index
    %get3A_5 = vector.load %arg1[%get3A_2, %get3A_3, %get3A_4] : memref<1x512x128xf32, #tpu.memory_space<vmem>>, vector<1x512x128xf32>
    %get3A_6 = vector.shape_cast %get3A_5 : vector<1x512x128xf32> to vector<512x128xf32>
    %get3A_7 = arith.constant 0 : index
    %get3A_8 = arith.constant 0 : index
    %get3A_9 = arith.constant 0 : index
    %get3A_10 = vector.load %arg2[%get3A_7, %get3A_8, %get3A_9] : memref<1x512x128xf32, #tpu.memory_space<vmem>>, vector<1x512x128xf32>
    %get3A_11 = vector.shape_cast %get3A_10 : vector<1x512x128xf32> to vector<512x128xf32>
    %add3A = arith.addf %get3A_6, %get3A_11 : vector<512x128xf32>
    %get3A_12 = arith.constant 0 : index
    %get3A_13 = arith.constant 0 : index
    %get3A_14 = vector.load %arg3[%get3A_12, %get3A_13] : memref<512x128xf32, #tpu.memory_space<vmem>>, vector<512x128xf32>
    %add3A_15 = arith.addf %add3A, %get3A_14 : vector<512x128xf32>
    %mul3A = arith.mulf %get3A_1, %add3A_15 : vector<512x128xf32>
    %get3A_16 = arith.constant 0 : index
    %get3A_17 = arith.constant 0 : index
    %get3A_18 = vector.load %arg5[%get3A_16, %get3A_17] : memref<1x128xf32, #tpu.memory_space<vmem>>, vector<1x128xf32>
    %add3A_19 = vector.broadcast %get3A_18 : vector<1x128xf32> to vector<512x128xf32>
    %add3A_20 = arith.addf %mul3A, %add3A_19 : vector<512x128xf32>
    %get3A_21 = arith.constant 0 : index
    %get3A_22 = arith.constant 0 : index
    %get3A_23 = vector.load %arg6[%get3A_21, %get3A_22] : memref<128x128xf32, #tpu.memory_space<vmem>>, vector<128x128xf32>
    %dot_general3A = arith.constant dense<0.000000e+00> : vector<512x128xf32>
    %dot_general3A_24 = tpu.matmul %add3A_20, %get3A_23, %dot_general3A {dimension_numbers = #tpu.dot_dimension_numbers<[1], [0], [0], [1], [0, 0, 1, 1], [], []>, transpose_lhs_hint = false} : vector<512x128xf32>, vector<128x128xf32>, vector<512x128xf32> -> vector<512x128xf32>
    %mul3A_25 = arith.mulf %get3A_1, %dot_general3A_24 : vector<512x128xf32>
    %swap3A = arith.constant 0 : index
    %swap3A_26 = arith.constant 0 : index
    %swap3A_27 = vector.load %arg7[%swap3A, %swap3A_26] : memref<512x128xf32, #tpu.memory_space<vmem>>, vector<512x128xf32>
    tpu.vector_store %arg7[%swap3A, %swap3A_26], %mul3A_25 {strides = array<i32>} : memref<512x128xf32, #tpu.memory_space<vmem>>, vector<512x128xf32>,
    return
  }
  func.func @transform_0(%arg0: i32) -> (i32, i32, i32) {
    %c0_i32 = arith.constant 0 : i32
    %c0_i32_0 = arith.constant 0 : i32
    %c0_i32_1 = arith.constant 0 : i32
    return %c0_i32, %arg0, %c0_i32_0 : i32, i32, i32
  }
  func.func @transform_1(%arg0: i32) -> (i32, i32, i32) {
    %c1_i32 = arith.constant 1 : i32
    %c0_i32 = arith.constant 0 : i32
    %c0_i32_0 = arith.constant 0 : i32
    return %c1_i32, %arg0, %c0_i32 : i32, i32, i32
  }
  func.func @transform_2(%arg0: i32) -> (i32, i32) {
    %c0_i32 = arith.constant 0 : i32
    %c0_i32_0 = arith.constant 0 : i32
    return %arg0, %c0_i32 : i32, i32
  }
  func.func @transform_3(%arg0: i32) -> (i32, i32) {
    %c0_i32 = arith.constant 0 : i32
    %c0_i32_0 = arith.constant 0 : i32
    return %arg0, %c0_i32 : i32, i32
  }
  func.func @transform_4(%arg0: i32) -> (i32, i32) {
    %c0_i32 = arith.constant 0 : i32
    %c0_i32_0 = arith.constant 0 : i32
    %c0_i32_1 = arith.constant 0 : i32
    return %c0_i32, %c0_i32_0 : i32, i32
  }
  func.func @transform_5(%arg0: i32) -> (i32, i32) {
    %c0_i32 = arith.constant 0 : i32
    %c0_i32_0 = arith.constant 0 : i32
    %c0_i32_1 = arith.constant 0 : i32
    return %c0_i32, %c0_i32_0 : i32, i32
  }
  func.func @transform_6(%arg0: i32) -> (i32, i32) {
    %c0_i32 = arith.constant 0 : i32
    %c0_i32_0 = arith.constant 0 : i32
    return %arg0, %c0_i32 : i32, i32
  }
}

module attributes {stable_mosaic.version = 14 : i64} {
  func.func @_final_body(%arg0: i32, %arg1: memref<1x512x128xf32, #tpu.memory_space<vmem>>, %arg2: memref<1x512x128xf32, #tpu.memory_space<vmem>>, %arg3: memref<512x128xf32, #tpu.memory_space<vmem>>, %arg4: memref<512x128xf32, #tpu.memory_space<vmem>>, %arg5: memref<1x128xf32, #tpu.memory_space<vmem>>, %arg6: memref<128x128xf32, #tpu.memory_space<vmem>>, %arg7: memref<1x128xf32, #tpu.memory_space<vmem>>, %arg8: memref<512x128xf32, #tpu.memory_space<vmem>>) attributes {dimension_semantics = [#tpu.dimension_semantics<arbitrary>], iteration_bounds = array<i64: 20>, scalar_prefetch = 0 : i64, scratch_operands = 0 : i64, tpu.core_type = #tpu.core_type<tc>, window_params = [{transform_indices = @transform_0, window_bounds = array<i64: 1, 512, 128>}, {transform_indices = @transform_1, window_bounds = array<i64: 1, 512, 128>}, {transform_indices = @transform_2, window_bounds = array<i64: 512, 128>}, {transform_indices = @transform_3, window_bounds = array<i64: 512, 128>}, {pipeline_mode = #tpu.pipeline_mode<synchronous>, transform_indices = @transform_4, window_bounds = array<i64: 1, 128>}, {pipeline_mode = #tpu.pipeline_mode<synchronous>, transform_indices = @transform_5, window_bounds = array<i64: 128, 128>}, {pipeline_mode = #tpu.pipeline_mode<synchronous>, transform_indices = @transform_6, window_bounds = array<i64: 1, 128>}, {transform_indices = @transform_7, window_bounds = array<i64: 512, 128>}]} {
    %get3A = arith.constant 0 : index
    %get3A_0 = arith.constant 0 : index
    %get3A_1 = vector.load %arg4[%get3A, %get3A_0] : memref<512x128xf32, #tpu.memory_space<vmem>>, vector<512x128xf32>
    %get3A_2 = arith.constant 0 : index
    %get3A_3 = arith.constant 0 : index
    %get3A_4 = arith.constant 0 : index
    %get3A_5 = vector.load %arg1[%get3A_2, %get3A_3, %get3A_4] : memref<1x512x128xf32, #tpu.memory_space<vmem>>, vector<1x512x128xf32>
    %get3A_6 = vector.shape_cast %get3A_5 : vector<1x512x128xf32> to vector<512x128xf32>
    %get3A_7 = arith.constant 0 : index
    %get3A_8 = arith.constant 0 : index
    %get3A_9 = arith.constant 0 : index
    %get3A_10 = vector.load %arg2[%get3A_7, %get3A_8, %get3A_9] : memref<1x512x128xf32, #tpu.memory_space<vmem>>, vector<1x512x128xf32>
    %get3A_11 = vector.shape_cast %get3A_10 : vector<1x512x128xf32> to vector<512x128xf32>
    %add3A = arith.addf %get3A_6, %get3A_11 : vector<512x128xf32>
    %get3A_12 = arith.constant 0 : index
    %get3A_13 = arith.constant 0 : index
    %get3A_14 = vector.load %arg3[%get3A_12, %get3A_13] : memref<512x128xf32, #tpu.memory_space<vmem>>, vector<512x128xf32>
    %add3A_15 = arith.addf %add3A, %get3A_14 : vector<512x128xf32>
    %mul3A = arith.mulf %get3A_1, %add3A_15 : vector<512x128xf32>
    %get3A_16 = arith.constant 0 : index
    %get3A_17 = arith.constant 0 : index
    %get3A_18 = vector.load %arg5[%get3A_16, %get3A_17] : memref<1x128xf32, #tpu.memory_space<vmem>>, vector<1x128xf32>
    %add3A_19 = vector.broadcast %get3A_18 : vector<1x128xf32> to vector<512x128xf32>
    %add3A_20 = arith.addf %mul3A, %add3A_19 : vector<512x128xf32>
    %get3A_21 = arith.constant 0 : index
    %get3A_22 = arith.constant 0 : index
    %get3A_23 = vector.load %arg6[%get3A_21, %get3A_22] : memref<128x128xf32, #tpu.memory_space<vmem>>, vector<128x128xf32>
    %dot_general3A = arith.constant dense<0.000000e+00> : vector<512x128xf32>
    %dot_general3A_24 = tpu.matmul %add3A_20, %get3A_23, %dot_general3A {dimension_numbers = #tpu.dot_dimension_numbers<[1], [0], [0], [1], [0, 0, 1, 1], [], []>, transpose_lhs_hint = false} : vector<512x128xf32>, vector<128x128xf32>, vector<512x128xf32> -> vector<512x128xf32>
    %get3A_25 = arith.constant 0 : index
    %get3A_26 = arith.constant 0 : index
    %get3A_27 = vector.load %arg7[%get3A_25, %get3A_26] : memref<1x128xf32, #tpu.memory_space<vmem>>, vector<1x128xf32>
    %add3A_28 = vector.broadcast %get3A_27 : vector<1x128xf32> to vector<512x128xf32>
    %add3A_29 = arith.addf %dot_general3A_24, %add3A_28 : vector<512x128xf32>
    %swap3A = arith.constant 0 : index
    %swap3A_30 = arith.constant 0 : index
    %swap3A_31 = vector.load %arg8[%swap3A, %swap3A_30] : memref<512x128xf32, #tpu.memory_space<vmem>>, vector<512x128xf32>
    tpu.vector_store %arg8[%swap3A, %swap3A_30], %add3A_29 {strides = array<i32>} : memref<512x128xf32, #tpu.memory_space<vmem>>, vector<512x128xf32>,
    return
  }
  func.func @transform_0(%arg0: i32) -> (i32, i32, i32) {
    %c0_i32 = arith.constant 0 : i32
    %c0_i32_0 = arith.constant 0 : i32
    %c0_i32_1 = arith.constant 0 : i32
    return %c0_i32, %arg0, %c0_i32_0 : i32, i32, i32
  }
  func.func @transform_1(%arg0: i32) -> (i32, i32, i32) {
    %c1_i32 = arith.constant 1 : i32
    %c0_i32 = arith.constant 0 : i32
    %c0_i32_0 = arith.constant 0 : i32
    return %c1_i32, %arg0, %c0_i32 : i32, i32, i32
  }
  func.func @transform_2(%arg0: i32) -> (i32, i32) {
    %c0_i32 = arith.constant 0 : i32
    %c0_i32_0 = arith.constant 0 : i32
    return %arg0, %c0_i32 : i32, i32
  }
  func.func @transform_3(%arg0: i32) -> (i32, i32) {
    %c0_i32 = arith.constant 0 : i32
    %c0_i32_0 = arith.constant 0 : i32
    return %arg0, %c0_i32 : i32, i32
  }
  func.func @transform_4(%arg0: i32) -> (i32, i32) {
    %c0_i32 = arith.constant 0 : i32
    %c0_i32_0 = arith.constant 0 : i32
    %c0_i32_1 = arith.constant 0 : i32
    return %c0_i32, %c0_i32_0 : i32, i32
  }
  func.func @transform_5(%arg0: i32) -> (i32, i32) {
    %c0_i32 = arith.constant 0 : i32
    %c0_i32_0 = arith.constant 0 : i32
    %c0_i32_1 = arith.constant 0 : i32
    return %c0_i32, %c0_i32_0 : i32, i32
  }
  func.func @transform_6(%arg0: i32) -> (i32, i32) {
    %c0_i32 = arith.constant 0 : i32
    %c0_i32_0 = arith.constant 0 : i32
    %c0_i32_1 = arith.constant 0 : i32
    return %c0_i32, %c0_i32_0 : i32, i32
  }
  func.func @transform_7(%arg0: i32) -> (i32, i32) {
    %c0_i32 = arith.constant 0 : i32
    %c0_i32_0 = arith.constant 0 : i32
    return %arg0, %c0_i32 : i32, i32
  }
}

</mosaic_0001>

<sc_bundles>
// kernel: kernel.12.cloned.1.call-start
scs
__scs_entry_jumppad:
0x0: {  	(pc) =	sbr.rel $0x88, $3  }
0x1: {  	(tag) =	ssettag $0x0;
	lr =	simm.s32 $0x1  }
0x2: {  	[smem:$0x3F97] =	sst lr;
	_ =	strace $0xD0000000  }
0x3: {  	_ = 	snop  }
0x4: {  	_ = 	snop  }
0x5: {  	_ = 	snop  }
0x6: {  	_ = 	snop  }
0x7: {  	_ = 	snop  }
__scs_overlays_trampoline_lowered:
0x8: {  	[smem:$0x3FA6] =	sst s0  }
0x9: {  	[smem:$0x3FA7] =	sst s1  }
0xa: {  	[smem:$0x3FA8] =	sst s2  }
0xb: {  	[smem:$0x3FA9] =	sst s3  }
0xc: {  	[smem:$0x3FAA] =	sst s4  }
0xd: {  	[smem:$0x3FAB] =	sst s5  }
0xe: {  	[smem:$0x3FAC] =	sst s6  }
0xf: {  	[smem:$0x3FAD] =	sst s7  }
0x10: {  	[smem:$0x3FAE] =	sst s8  }
0x11: {  	[smem:$0x3FAF] =	sst s9;
	s0 =	simm.s32 @!p0 $0x0  }
0x12: {  	s1 =	sld [smem:$0x3F95];
	s0 =	simm.s32 @p0 $0x1  }
0x13: {  	[smem:$0x3FB0] =	sst s0;
	s0 =	simm.s32 @!p1 $0x0  }
0x14: {  	s2 =	sld [smem:$0x3F94];
	s0 =	simm.s32 @p1 $0x1  }
0x15: {  	[smem:$0x3FB1] =	sst s0;
	s0 =	simm.s32 @!p2 $0x0  }
0x16: {  	s3 =	sld [smem:$0x3FDB];
	s0 =	simm.s32 @p2 $0x1  }
0x17: {  	s4 =	simm.s32 $0x1BF5;
	[smem:$0x3FB3] =	sst s0  }
0x18: {  	s0 =	sld [smem:$0x3F96];
	_ =	swait.ge [sflag:s4], $0x0  }
0x19: {  	s7 =	sld [smem:$0x3F97]  }
0x1a: {  	s8 =	sadd.s32 $0xFFFFE003, lr  }
0x1b: {  	s9 =	sadd.s32 $0xFFFFFEF7, lr;
	s5 =	simm.s32 $0xFFFFFFFF;
	p2 =	slt.u32 s8, $0xFFFFF086  }
0x1c: {  	p1 =	slt.u32 s9, $0xF7A;
	s5 =	simm.s32 @!p2 $0x0  }
0x1d: {  	s5 =	simm.s32 @p1 $0x1;
	p0 =	seq.s32 s7, s2  }
0x1e: {  	s7 =	smul.u32 @!p0 $0xF7A, s2;
	p2 =	seq.s32 @!p0 s5, $0x0  }
0x1f: {  	s9 =	smul.u32 $0xF7A, s1;
	s8 =	simm.s32 @!p0 $0x1BF5;
	p2 =	por !p2, p0  }
0x20: {  	[sflag:s8] =	ssyncset.s32 @!p0 $0xFFFFF086;
	s6 =	sadd.s32 @!p0 s3, s7;
	s7 =	simm.s32 @!p0 $0x108  }
0x21: {  	s3 =	sadd.s32 s3, s9;
	s6 =	sadd.s32 @!p0 $0x88, s6;
	s7 =	simm.s32 @p2 $0x1082  }
0x22: {  	[simem:s7], [sflag:s8] =	dma.local @!p0 [hbm:s6], $0xF7A  }
0x23: {  	s9 =	sor.u32 $0xD0000000, s2;
	s6 =	simm.s32 $0x108;
	_ =	swait.ge @!p0 [sflag:s8], $0x0  }
0x24: {  	s3 =	sadd.s32 $0x88, s3;
	s6 =	simm.s32 @!p1 $0x1082;
	[sflag:s4] =	ssyncset.s32 $0xFFFFF086  }
0x25: {  	[simem:s6], [sflag:s4] =	dma.local [hbm:s3], $0xF7A  }
0x26: {  	[smem:$0x3F97] =	sst s1;
	(tag) =	ssettag s2;
	_ =	strace s9  }
0x27: {  	s1 =	sld [smem:$0x3FA7]  }
0x28: {  	s2 =	sld [smem:$0x3FA8]  }
0x29: {  	s4 =	sld [smem:$0x3FAA]  }
0x2a: {  	p0 =	seq.s32 s5, $0x0;
	s5 =	sld [smem:$0x3FAB]  }
0x2b: {  	s6 =	sld [smem:$0x3FAC]  }
0x2c: {  	s7 =	sld [smem:$0x3FAD]  }
0x2d: {  	s3 =	simm.s32 $0x108;
	s8 =	sld [smem:$0x3FAE]  }
0x2e: {  	s3 =	simm.s32 @!p0 $0x1082;
	s9 =	sld [smem:$0x3FAF]  }
0x2f: {  	lr =	sadd.s32 s0, s3;
	s0 =	sld [smem:$0x3FA6]  }
0x30: {  	s3 =	sld [smem:$0x3FA9]  }
0x31: {  	[smem:$0x3FB2] =	sst s10  }
0x32: {  	s10 =	sld [smem:$0x3FB0];
	_ =	sdelay $0x3  }
0x33: {  	p0 =	seq.s32 s10, $0x1;
	s10 =	sld [smem:$0x3FB2];
	_ =	sdelay $0x3  }
0x34: {  	[smem:$0x3FB2] =	sst s10  }
0x35: {  	s10 =	sld [smem:$0x3FB1];
	_ =	sdelay $0x3  }
0x36: {  	p1 =	seq.s32 s10, $0x1;
	s10 =	sld [smem:$0x3FB2];
	_ =	sdelay $0x3  }
0x37: {  	[smem:$0x3FB2] =	sst s10  }
0x38: {  	s10 =	sld [smem:$0x3FB3]  }
0x39: {  	_ = 	snop;
	(pc) =	sbr.ind lr, $3  }
0x3a: {  	_ = 	snop  }
0x3b: {  	_ = 	snop  }
0x3c: {  	p2 =	seq.s32 s10, $0x1;
	s10 =	sld [smem:$0x3FB2]  }
0x3d: {  	_ =	shalt  }
0x3e: {  	_ =	shalt  }
0x3f: {  	_ =	shalt  }
0x40: {  	_ =	shalt  }
0x41: {  	_ =	shalt  }
0x42: {  	_ =	shalt  }
0x43: {  	_ =	shalt  }
0x44: {  	_ =	shalt  }
0x45: {  	_ =	shalt  }
0x46: {  	_ =	shalt  }
0x47: {  	_ =	shalt  }
0x48: {  	_ =	shalt  }
0x49: {  	_ =	shalt  }
0x4a: {  	_ =	shalt  }
0x4b: {  	_ =	shalt  }
0x4c: {  	_ =	shalt  }
0x4d: {  	_ =	shalt  }
0x4e: {  	_ =	shalt  }
0x4f: {  	_ =	shalt  }
0x50: {  	_ =	shalt  }
0x51: {  	_ =	shalt  }
0x52: {  	_ =	shalt  }
0x53: {  	_ =	shalt  }
0x54: {  	_ =	shalt  }
0x55: {  	_ =	shalt  }
0x56: {  	_ =	shalt  }
0x57: {  	_ =	shalt  }
0x58: {  	_ =	shalt  }
0x59: {  	_ =	shalt  }
0x5a: {  	_ =	shalt  }
0x5b: {  	_ =	shalt  }
0x5c: {  	_ =	shalt  }
0x5d: {  	_ =	shalt  }
0x5e: {  	_ =	shalt  }
0x5f: {  	_ =	shalt  }
0x60: {  	_ =	shalt  }
0x61: {  	_ =	shalt  }
0x62: {  	_ =	shalt  }
0x63: {  	_ =	shalt  }
0x64: {  	_ =	shalt  }
0x65: {  	_ =	shalt  }
0x66: {  	_ =	shalt  }
0x67: {  	_ =	shalt  }
0x68: {  	_ =	shalt  }
0x69: {  	_ =	shalt  }
0x6a: {  	_ =	shalt  }
0x6b: {  	_ =	shalt  }
0x6c: {  	_ =	shalt  }
0x6d: {  	_ =	shalt  }
0x6e: {  	_ =	shalt  }
0x6f: {  	_ =	shalt  }
0x70: {  	_ =	shalt  }
0x71: {  	_ =	shalt  }
0x72: {  	_ =	shalt  }
0x73: {  	_ =	shalt  }
0x74: {  	_ =	shalt  }
0x75: {  	_ =	shalt  }
0x76: {  	_ =	shalt  }
0x77: {  	_ =	shalt  }
0x78: {  	_ =	shalt  }
0x79: {  	_ =	shalt  }
0x7a: {  	_ =	shalt  }
0x7b: {  	_ =	shalt  }
0x7c: {  	_ =	shalt  }
0x7d: {  	_ =	shalt  }
0x7e: {  	_ =	shalt  }
0x7f: {  	_ =	shalt  }
0x80: {  	_ =	shalt  }
0x81: {  	_ =	shalt  }
0x82: {  	_ =	shalt  }
0x83: {  	_ =	shalt  }
0x84: {  	_ =	shalt  }
0x85: {  	_ =	shalt  }
0x86: {  	_ =	shalt  }
0x87: {  	_ =	shalt  }
.Lfunc_end0:
.L_simem_size_0:
called_computation.1_lowered:
.L_overlay_start_0:
0x88: {  	s2 =	sld [smem:$0x3FD9]  }
0x89: {  	s3 =	sld [smem:$0x3FFE];
	_ =	sdelay $0x1  }
0x8a: {  	s1 =	srdreg.scid  }
0x8b: {  	s0 =	sand.u32 $0x1, s1  }
0x8c: {  	s17 =	sshll.u32 s0, $0xA;
	s2 =	sadd.s32 s3, s2  }
0x8d: {  	s2 =	sadd.s32 s2, s17  }
0x8e: {  	[smem:$0x3FBE] =	sst s2  }
0x8f: {  	_ = 	snop  }
0x90: {  	s2 =	sld [smem:$0x3FD0];
	(tm) =	ssettm $0x1  }
0x91: {  	s18 =	sld [smem:$0x3FFB];
	_ =	sdelay $0x3  }
0x92: {  	_ =	strace s18  }
0x93: {  	s3 =	sld [smem:$0x3FFC];
	_ =	sdelay $0x3  }
0x94: {  	_ =	strace s3  }
0x95: {  	s3 =	sld [smem:$0x3FFD];
	_ =	sdelay $0x3  }
0x96: {  	_ =	strace s3  }
0x97: {  	_ =	strace $0x8FFFFFFF  }
0x98: {  	s19 =	sld [smem:$0x3FDB];
	_ =	sdelay $0x1  }
0x99: {  	s4 =	simm.s32 $_scs_section_size  }
0x9a: {  	s5 =	simm.s32 $_size__tile_overlayer_lowered;
	s6 =	simm.s32 $_tile_overlayer_lowered  }
0x9b: {  	s22 =	simm.s32 $0x1BFF;
	s21 =	sshll.u32 s6, $0x1;
	s3 =	sadd.s32 s4, s19  }
0x9c: {  	s7 =	simm.s32 $0x0;
	s20 =	sshll.u32 s5, $0x1;
	s5 =	sadd.s32 s21, s3  }
0x9d: {  	[timem:s7], [sflag:s22] =	dma.local [hbm:s5], s20  }
0x9e: {  	_ =	swait.ge [sflag:s22], s20  }
0x9f: {  	s4 =	ssub.s32 $0x0, s20;
	[sflag:s22] =	ssyncset.done $0x0  }
0xa0: {  	[sflag:s22] =	ssyncadd.s32 s4;
	_ =	sdelay $0x1  }
0xa1: {  	s23 =	simm.s32 $0x1B8B  }
0xa2: {  	_ =	swait.ge [sflag:s23], $0x1  }
0xa3: {  	[sflag:s23] =	ssyncset.done $0x0  }
0xa4: {  	s25 =	simm.s32 $0x1B8E;
	s24 =	sld [smem:$0x3FFE];
	[sflag:s23] =	ssyncadd.s32 $0xFFFFFFFF  }
0xa5: {  	s26 =	simm.s32 $execute0_lowered;
	[smem:$0x3FD2] =	sst s25  }
0xa6: {  	s5 =	sshll.u32 s26, $0x1;
	_ =	strace $0x80000049;
	[dreg:$0x1] =	wrdreg $0xFFFFFFFF  }
0xa7: {  	s28 =	simm.s32 $_size_execute0_lowered;
	s3 =	sadd.s32 s3, s5;
	[dreg:$0x0] =	wrdreg $0x0  }
0xa8: {  	s5 =	sshll.u32 s28, $0x1;
	[dreg:$0x2] =	wrdreg s3  }
0xa9: {  	[dreg:$0x3] =	wrdreg s5  }
0xaa: {  	[dreg:$0x4] =	wrdreg $0xC0  }
0xab: {  	_ =	task [dreg:s7], $0x5FFFF  }
0xac: {  	[dreg:$0x1] =	wrdreg $0xFFFFFFFF  }
0xad: {  	[dreg:$0x0] =	wrdreg $0x60  }
0xae: {  	[dreg:$0x2] =	wrdreg s2  }
0xaf: {  	[dreg:$0x3] =	wrdreg s24  }
0xb0: {  	[dreg:$0x4] =	wrdreg $0xA8000  }
0xb1: {  	[dreg:$0x5] =	wrdreg $0x9  }
0xb2: {  	_ =	task.clear_ibuf [dreg:s7], $0x6FFFF;
	_ =	strace $0x90000049  }
0xb3: {  	s29 =	simm.s32 $0x9;
	_ =	strace $0x8000004B  }
0xb4: {  	_ =	swait.ge [sflag:s29], $0x1  }
0xb5: {  	[sflag:s29] =	ssyncadd.s32 $0xFFFFFFFF  }
0xb6: {  	_ =	strace $0x9000004B  }
0xb7: {  	_ =	sfence  }
0xb8: {  	s30 =	sld [smem:$0x0];
	_ =	sdelay $0x2  }
0xb9: {  	s31 =	sshll.u32 s1, $0xD;
	s1 =	sshrl.u32 s1, $0x2  }
0xba: {  	s3 =	sand.u32 $0x4000, s31;
	s1 =	sadd.s32 s1, s30  }
0xbb: {  	s0 =	sor.u32 s3, s0;
	s1 =	sshll.u32 s1, $0x11  }
0xbc: {  	s0 =	sor.u32 s1, s0  }
0xbd: {  	s0 =	sadd.s32 $0x8F2B, s0  }
0xbe: {  	[sflag:s0] =	ssyncadd.remote.s32 $0x1  }
0xbf: {  	_ =	sfence.sel $0xFFFF  }
0xc0: {  	[dreg:$0x0] =	wrdreg $0xFFFFFFFF;
	(pc) =	sbr.abs _section_cstart, $3  }
0xc1: {  	[dreg:$0x1] =	wrdreg $0xFFFFFFFF  }
0xc2: {  	_ =	task.clear_ibuf [dreg:s7], $0x2FFFF;
	_ =	strace $0x9FFFFFFF  }
0xc3: {  	(tm) =	ssettm $0x7FFFFFFF  }
tec
execute0_lowered:
.L_overlay_start_1:
0x0: {  	(tag) =	ssettag $0x1  }
0x1: {  	s14 =	rddreg [dreg:$0x0]  }
0x2: {  	s5 =	rddreg [dreg:$0x1];
	s0 =	srdreg.scid  }
0x3: {  	s2 =	rddreg [dreg:$0x2];
	s1 =	stileid.u32;
	s3 =	simm.s32 $0x0  }
0x4: {  	s17 =	simm.s32 $0x3;
	s18 =	simm.s32 $0x1400;
	s19 =	simm.s32 $0x80  }
0x5: {  	s20 =	simm.s32 $0x6800;
	s21 =	simm.s32 $0x1;
	s22 =	simm.s32 $0x2  }
0x6: {  	s23 =	simm.s32 $0x1380;
	s24 =	simm.s32 $0x2700;
	s25 =	simm.s32 $0x2780  }
0x7: {  	s26 =	simm.s32 $0x0;
	s6 =	sand.u32 $0x1, s0;
	s7 =	smul.u32 $0x14000, s1  }
0x8: {  	[smem:$0x7FF] =	sst s3;
	s15 =	sadd.s32 $0x2600, s5;
	s8 =	smul.u32 $0x50000, s1  }
0x9: {  	s28 =	sshll.u32 s1, $0x1;
	s4 =	smul.u32 $0x140000, s6;
	_ =	strace $0x8000004A  }
0xa: {  	s29 =	ssub.s32 $0x2, s6;
	s6 =	sor.u32 s6, s28;
	s30 =	sshrl.u32 s8, $0x2  }
0xb: {  	s31 =	sshrl.u32 s29, $0x1;
	s11 =	smul.u32 $0x2800, s6;
	s4 =	sadd.s32 s7, s4  }
0xc: {  	s12 =	ssub.s32 s29, s31;
	s7 =	sshrl.u32 s4, $0x3;
	s4 =	sadd.s32 $0xC600, s5  }
0xd: {  	s13 =	sshrl.u32 s11, $0x3;
	s11 =	smax.u32 s12, $0x1;
	s10 =	sadd.s32 s7, s5  }
0xe: {  	s5 =	sadd.s32 s30, s2;
	s16 =	sadd.s32 $0x280, s13;
	s12 =	sadd.s32 s14, s13  }
0xf: {  	s13 =	sadd.s32 s15, s13;
	s6 =	sadd.s32 $0x4000, s5;
	s7 =	sadd.s32 $0x8000, s5  }
0x10: {  	s8 =	sadd.s32 $0xC000, s5;
	s9 =	sadd.s32 $0x10000, s5;
	s10 =	sadd.s32 $0x34600, s10  }
0x11: {  	v0 =	vimm.f32 $0.0e+00;
	s14 =	sadd.s32 s14, s16;
	s15 =	sadd.s32 s15, s16;
	s16 =	simm.s32 $0x2800  }
.LBB2_1:
0x12: {  	s28 =	sand.u32 $0xFE00, s3  }
0x13: {  	s29 =	sand.u32 $0x70, s3;
	s30 =	sshrl.u32 s28, $0x2  }
0x14: {  	s28 =	simm.s32 $0x40;
	s30 =	sor.u32 s29, s30;
	s29 =	simm.s32 $0x0  }
.LBB2_2:
0x15: {  	p0 =	sne.s32 s28, $0xFFC0  }
0x16: {  	[tilespmem:s30+$0x2800] =	vst v0;
	s29 =	sadd.s32 $0x10, s29;
	s30 =	smov.u32 s28;
	s28 =	sadd.s32 $0x40, s28  }
.Ltmp0:
0x17: {  	(pc) =	sbr.rel @p0 .LBB2_2-.Ltmp0, $4  }
0x18: {  	_ = 	snop  }
0x19: {  	s30 =	sand.u32 $0xFE00, s30  }
0x1a: {  	s31 =	sand.u32 $0x70, s29;
	s30 =	sshrl.u32 s30, $0x2  }
0x1b: {  	s30 =	sor.u32 s31, s30  }
0x1c: {  	[tilespmem:s30+$0x2800] =	vst v0  }
0x1d: {  	[spmem:s5] =	stream.linear.scatter [tilespmem:s16], [sflag:$0x3], $0x4000, $0x38;
	[tilespmem:$0x1E800] =	vst v63  }
0x1e: {  	_ =	swait.ge [sflag:s17], $0x4000  }
0x1f: {  	[sflag:s17] =	ssyncset.done $0x0  }
0x20: {  	[sflag:s17] =	ssyncadd.s32 $0xFFFFC000  }
0x21: {  	[spmem:s6] =	stream.linear.scatter [tilespmem:s16], [sflag:$0x3], $0x4000, $0x38;
	[tilespmem:$0x1E800] =	vst v63  }
0x22: {  	_ =	swait.ge [sflag:s17], $0x4000  }
0x23: {  	[sflag:s17] =	ssyncset.done $0x0  }
0x24: {  	[sflag:s17] =	ssyncadd.s32 $0xFFFFC000  }
0x25: {  	[spmem:s7] =	stream.linear.scatter [tilespmem:s16], [sflag:$0x3], $0x4000, $0x38;
	[tilespmem:$0x1E800] =	vst v63  }
0x26: {  	_ =	swait.ge [sflag:s17], $0x4000  }
0x27: {  	[sflag:s17] =	ssyncset.done $0x0  }
0x28: {  	[sflag:s17] =	ssyncadd.s32 $0xFFFFC000  }
0x29: {  	[spmem:s8] =	stream.linear.scatter [tilespmem:s16], [sflag:$0x3], $0x4000, $0x38;
	[tilespmem:$0x1E800] =	vst v63  }
0x2a: {  	_ =	swait.ge [sflag:s17], $0x4000  }
0x2b: {  	[sflag:s17] =	ssyncset.done $0x0  }
0x2c: {  	[sflag:s17] =	ssyncadd.s32 $0xFFFFC000  }
0x2d: {  	[spmem:s9] =	stream.linear.scatter [tilespmem:s16], [sflag:$0x3], $0x4000, $0x38;
	[tilespmem:$0x1E800] =	vst v63  }
0x2e: {  	_ =	swait.ge [sflag:s17], $0x4000  }
0x2f: {  	[sflag:s17] =	ssyncset.done $0x0  }
0x30: {  	[sflag:s17] =	ssyncadd.s32 $0xFFFFC000  }
0x31: {  	s28 =	simm.s32 $0x0;
	[bflag:$0x0] =	sbarrier.arrive $0xFFFF  }
0x32: {  	[tilespmem:s28], [sflag:$0x3] =	stream.linear.gather [hbm4b:s12+s28], $0x1400, $0x38;
	[tilespmem:$0x1E800] =	vst v63  }
0x33: {  	_ =	swait.ge [sflag:s17], $0x1400  }
0x34: {  	[sflag:s17] =	ssyncset.done $0x0  }
0x35: {  	[sflag:s17] =	ssyncadd.s32 $0xFFFFEC00  }
0x36: {  	[tilespmem:s18], [sflag:$0x3] =	stream.linear.gather [hbm4b:s13+s28], $0x1400, $0x38;
	[tilespmem:$0x1E800] =	vst v63  }
0x37: {  	_ =	swait.ge [sflag:s17], $0x1400  }
0x38: {  	[sflag:s17] =	ssyncset.done $0x0  }
0x39: {  	[sflag:s17] =	ssyncadd.s32 $0xFFFFEC00  }
0x3a: {  	[tilespmem:s16], [sflag:$0x1] =	stream.indirect.gather [hbm4b:s4+s19], $0x80, s28, s19, $0xb8;
	[tilespmem:$0x1E800] =	vst v63  }
0x3b: {  	s28 =	simm.s32 $0x80  }
0x3c: {  	[tilespmem:s20], [sflag:$0x2] =	stream.indirect.gather [hbm4b:s4+s19], $0x80, s28, s19, $0xb8;
	[tilespmem:$0x1E800] =	vst v63  }
0x3d: {  	_ =	swait.ge [sflag:s21], $0x4000  }
0x3e: {  	[sflag:s21] =	ssyncset.done $0x0  }
0x3f: {  	s28 =	simm.s32 $0x1400;
	[sflag:s21] =	ssyncadd.s32 $0xFFFFC000  }
0x40: {  	[spmem:s2] =	stream.indirect.scatter.add.f32 [tilespmem:s16], [sflag:$0x3], $0x80, s28, s19, $0xb8;
	[tilespmem:$0x1E800] =	vst v63  }
0x41: {  	_ =	swait.ge [sflag:s17], $0x4000  }
0x42: {  	[sflag:s17] =	ssyncset.done $0x0  }
0x43: {  	s28 =	simm.s32 $0x100;
	[sflag:s17] =	ssyncadd.s32 $0xFFFFC000  }
0x44: {  	[tilespmem:s16], [sflag:$0x1] =	stream.indirect.gather [hbm4b:s4+s19], $0x80, s28, s19, $0xb8;
	[tilespmem:$0x1E800] =	vst v63  }
0x45: {  	_ =	swait.ge [sflag:s22], $0x4000  }
0x46: {  	[sflag:s22] =	ssyncset.done $0x0  }
0x47: {  	s28 =	simm.s32 $0x1480;
	[sflag:s22] =	ssyncadd.s32 $0xFFFFC000  }
0x48: {  	[spmem:s2] =	stream.indirect.scatter.add.f32 [tilespmem:s20], [sflag:$0x3], $0x80, s28, s19, $0xb8;
	[tilespmem:$0x1E800] =	vst v63  }
0x49: {  	_ =	swait.ge [sflag:s17], $0x4000  }
0x4a: {  	s29 =	simm.s32 $0x800;
	s28 =	simm.s32 $0x100;
	[sflag:s17] =	ssyncset.done $0x0  }
.LBB2_4:
0x4b: {  	s30 =	sadd.s32 $0x80, s28  }
0x4c: {  	[sflag:s17] =	ssyncadd.s32 $0xFFFFC000;
	s31 =	smov.u32 s29;
	s0 =	sadd.s32 $0x400, s29  }
0x4d: {  	[tilespmem:s20], [sflag:$0x2] =	stream.indirect.gather [hbm4b:s4+s19], $0x80, s30, s19, $0xb8;
	[tilespmem:$0x1E800] =	vst v63  }
0x4e: {  	p0 =	sne.s32 s29, $0x4800;
	_ =	swait.ge [sflag:s21], $0x4000  }
0x4f: {  	[sflag:s21] =	ssyncset.done $0x0  }
0x50: {  	s29 =	sadd.s32 $0x1400, s28;
	[sflag:s21] =	ssyncadd.s32 $0xFFFFC000  }
0x51: {  	[spmem:s2] =	stream.indirect.scatter.add.f32 [tilespmem:s16], [sflag:$0x3], $0x80, s29, s19, $0xb8;
	[tilespmem:$0x1E800] =	vst v63  }
0x52: {  	_ =	swait.ge [sflag:s17], $0x4000  }
0x53: {  	[sflag:s17] =	ssyncset.done $0x0  }
0x54: {  	s29 =	sadd.s32 $0x100, s28;
	[sflag:s17] =	ssyncadd.s32 $0xFFFFC000  }
0x55: {  	[tilespmem:s16], [sflag:$0x1] =	stream.indirect.gather [hbm4b:s4+s19], $0x80, s29, s19, $0xb8;
	[tilespmem:$0x1E800] =	vst v63  }
0x56: {  	_ =	swait.ge [sflag:s22], $0x4000  }
.Ltmp1:
0x57: {  	[sflag:s22] =	ssyncset.done $0x0;
	(pc) =	sbr.rel @p0 .LBB2_4-.Ltmp1, $4  }
0x58: {  	s28 =	sadd.s32 $0x1480, s28;
	[sflag:s22] =	ssyncadd.s32 $0xFFFFC000  }
0x59: {  	[spmem:s2] =	stream.indirect.scatter.add.f32 [tilespmem:s20], [sflag:$0x3], $0x80, s28, s19, $0xb8;
	[tilespmem:$0x1E800] =	vst v63  }
0x5a: {  	_ =	swait.ge [sflag:s17], $0x4000  }
0x5b: {  	s29 =	smov.u32 s0;
	s28 =	sshra.s32 s31, $0x2;
	[sflag:s17] =	ssyncset.done $0x0  }
0x5c: {  	s0 =	sadd.s32 $0x80, s28;
	[sflag:s17] =	ssyncadd.s32 $0xFFFFC000  }
0x5d: {  	[tilespmem:s20], [sflag:$0x2] =	stream.indirect.gather [hbm4b:s4+s19], $0x80, s0, s19, $0xb8;
	[tilespmem:$0x1E800] =	vst v63  }
0x5e: {  	_ =	swait.ge [sflag:s21], $0x4000  }
0x5f: {  	[sflag:s21] =	ssyncset.done $0x0  }
0x60: {  	s30 =	sadd.s32 $0x1400, s28;
	[sflag:s21] =	ssyncadd.s32 $0xFFFFC000  }
0x61: {  	[spmem:s2] =	stream.indirect.scatter.add.f32 [tilespmem:s16], [sflag:$0x3], $0x80, s30, s19, $0xb8;
	[tilespmem:$0x1E800] =	vst v63  }
0x62: {  	_ =	swait.ge [sflag:s17], $0x4000  }
0x63: {  	[sflag:s17] =	ssyncset.done $0x0  }
0x64: {  	s31 =	sadd.s32 $0x100, s28;
	[sflag:s17] =	ssyncadd.s32 $0xFFFFC000  }
0x65: {  	[tilespmem:s16], [sflag:$0x1] =	stream.indirect.gather [hbm4b:s4+s19], $0x80, s31, s19, $0xb8;
	[tilespmem:$0x1E800] =	vst v63  }
0x66: {  	_ =	swait.ge [sflag:s22], $0x4000  }
0x67: {  	[sflag:s22] =	ssyncset.done $0x0  }
0x68: {  	s30 =	sadd.s32 $0x1480, s28;
	[sflag:s22] =	ssyncadd.s32 $0xFFFFC000  }
0x69: {  	[spmem:s2] =	stream.indirect.scatter.add.f32 [tilespmem:s20], [sflag:$0x3], $0x80, s30, s19, $0xb8;
	[tilespmem:$0x1E800] =	vst v63  }
0x6a: {  	_ =	swait.ge [sflag:s17], $0x4000  }
0x6b: {  	[sflag:s17] =	ssyncset.done $0x0  }
0x6c: {  	[sflag:s17] =	ssyncadd.s32 $0xFFFFC000  }
0x6d: {  	[tilespmem:s20], [sflag:$0x2] =	stream.indirect.gather [hbm4b:s4+s19], $0x80, s23, s19, $0xb8;
	[tilespmem:$0x1E800] =	vst v63  }
0x6e: {  	_ =	swait.ge [sflag:s21], $0x4000  }
0x6f: {  	[sflag:s21] =	ssyncset.done $0x0  }
0x70: {  	[sflag:s21] =	ssyncadd.s32 $0xFFFFC000  }
0x71: {  	[spmem:s2] =	stream.indirect.scatter.add.f32 [tilespmem:s16], [sflag:$0x3], $0x80, s24, s19, $0xb8;
	[tilespmem:$0x1E800] =	vst v63  }
0x72: {  	_ =	swait.ge [sflag:s17], $0x4000  }
0x73: {  	[sflag:s17] =	ssyncset.done $0x0  }
0x74: {  	[sflag:s17] =	ssyncadd.s32 $0xFFFFC000  }
0x75: {  	_ =	swait.ge [sflag:s22], $0x4000  }
0x76: {  	[sflag:s22] =	ssyncset.done $0x0  }
0x77: {  	[sflag:s22] =	ssyncadd.s32 $0xFFFFC000  }
0x78: {  	[spmem:s2] =	stream.indirect.scatter.add.f32 [tilespmem:s20], [sflag:$0x3], $0x80, s25, s19, $0xb8;
	[tilespmem:$0x1E800] =	vst v63  }
0x79: {  	_ =	swait.ge [sflag:s17], $0x4000  }
0x7a: {  	[sflag:s17] =	ssyncset.done $0x0  }
0x7b: {  	s31 =	simm.s32 $0x0;
	[sflag:s17] =	ssyncadd.s32 $0xFFFFC000  }
0x7c: {  	[tilespmem:s31], [sflag:$0x3] =	stream.linear.gather [hbm4b:s14+s31], $0x1400, $0x38;
	[tilespmem:$0x1E800] =	vst v63  }
0x7d: {  	_ =	swait.ge [sflag:s17], $0x1400  }
0x7e: {  	[sflag:s17] =	ssyncset.done $0x0  }
0x7f: {  	[sflag:s17] =	ssyncadd.s32 $0xFFFFEC00  }
0x80: {  	[tilespmem:s18], [sflag:$0x3] =	stream.linear.gather [hbm4b:s15+s31], $0x1400, $0x38;
	[tilespmem:$0x1E800] =	vst v63  }
0x81: {  	_ =	swait.ge [sflag:s17], $0x1400  }
0x82: {  	[sflag:s17] =	ssyncset.done $0x0  }
0x83: {  	[sflag:s17] =	ssyncadd.s32 $0xFFFFEC00  }
0x84: {  	[tilespmem:s16], [sflag:$0x1] =	stream.indirect.gather [hbm4b:s4+s19], $0x80, s31, s19, $0xb8;
	[tilespmem:$0x1E800] =	vst v63  }
0x85: {  	s30 =	simm.s32 $0x80  }
0x86: {  	[tilespmem:s20], [sflag:$0x2] =	stream.indirect.gather [hbm4b:s4+s19], $0x80, s30, s19, $0xb8;
	[tilespmem:$0x1E800] =	vst v63  }
0x87: {  	_ =	swait.ge [sflag:s21], $0x4000  }
0x88: {  	[sflag:s21] =	ssyncset.done $0x0  }
0x89: {  	s31 =	simm.s32 $0x1400;
	[sflag:s21] =	ssyncadd.s32 $0xFFFFC000  }
0x8a: {  	[spmem:s2] =	stream.indirect.scatter.add.f32 [tilespmem:s16], [sflag:$0x3], $0x80, s31, s19, $0xb8;
	[tilespmem:$0x1E800] =	vst v63  }
0x8b: {  	_ =	swait.ge [sflag:s17], $0x4000  }
0x8c: {  	[sflag:s17] =	ssyncset.done $0x0  }
0x8d: {  	s30 =	simm.s32 $0x100;
	[sflag:s17] =	ssyncadd.s32 $0xFFFFC000  }
0x8e: {  	[tilespmem:s16], [sflag:$0x1] =	stream.indirect.gather [hbm4b:s4+s19], $0x80, s30, s19, $0xb8;
	[tilespmem:$0x1E800] =	vst v63  }
0x8f: {  	_ =	swait.ge [sflag:s22], $0x4000  }
0x90: {  	[sflag:s22] =	ssyncset.done $0x0  }
0x91: {  	s31 =	simm.s32 $0x1480;
	[sflag:s22] =	ssyncadd.s32 $0xFFFFC000  }
0x92: {  	[spmem:s2] =	stream.indirect.scatter.add.f32 [tilespmem:s20], [sflag:$0x3], $0x80, s31, s19, $0xb8;
	[tilespmem:$0x1E800] =	vst v63  }
0x93: {  	_ =	swait.ge [sflag:s17], $0x4000  }
0x94: {  	s29 =	simm.s32 $0x800;
	s28 =	simm.s32 $0x100;
	[sflag:s17] =	ssyncset.done $0x0  }
.LBB2_6:
0x95: {  	s0 =	sadd.s32 $0x80, s28  }
0x96: {  	[sflag:s17] =	ssyncadd.s32 $0xFFFFC000;
	s30 =	smov.u32 s29;
	s31 =	sadd.s32 $0x400, s29  }
0x97: {  	[tilespmem:s20], [sflag:$0x2] =	stream.indirect.gather [hbm4b:s4+s19], $0x80, s0, s19, $0xb8;
	[tilespmem:$0x1E800] =	vst v63  }
0x98: {  	p0 =	sne.s32 s29, $0x4800;
	_ =	swait.ge [sflag:s21], $0x4000  }
0x99: {  	[sflag:s21] =	ssyncset.done $0x0  }
0x9a: {  	s0 =	sadd.s32 $0x1400, s28;
	[sflag:s21] =	ssyncadd.s32 $0xFFFFC000  }
0x9b: {  	[spmem:s2] =	stream.indirect.scatter.add.f32 [tilespmem:s16], [sflag:$0x3], $0x80, s0, s19, $0xb8;
	[tilespmem:$0x1E800] =	vst v63  }
0x9c: {  	_ =	swait.ge [sflag:s17], $0x4000  }
0x9d: {  	[sflag:s17] =	ssyncset.done $0x0  }
0x9e: {  	s0 =	sadd.s32 $0x100, s28;
	[sflag:s17] =	ssyncadd.s32 $0xFFFFC000  }
0x9f: {  	[tilespmem:s16], [sflag:$0x1] =	stream.indirect.gather [hbm4b:s4+s19], $0x80, s0, s19, $0xb8;
	[tilespmem:$0x1E800] =	vst v63  }
0xa0: {  	_ =	swait.ge [sflag:s22], $0x4000  }
.Ltmp2:
0xa1: {  	[sflag:s22] =	ssyncset.done $0x0;
	(pc) =	sbr.rel @p0 .LBB2_6-.Ltmp2, $4  }
0xa2: {  	s0 =	sadd.s32 $0x1480, s28;
	[sflag:s22] =	ssyncadd.s32 $0xFFFFC000  }
0xa3: {  	[spmem:s2] =	stream.indirect.scatter.add.f32 [tilespmem:s20], [sflag:$0x3], $0x80, s0, s19, $0xb8;
	[tilespmem:$0x1E800] =	vst v63  }
0xa4: {  	_ =	swait.ge [sflag:s17], $0x4000  }
0xa5: {  	s29 =	smov.u32 s31;
	s28 =	sshra.s32 s30, $0x2;
	[sflag:s17] =	ssyncset.done $0x0  }
0xa6: {  	s0 =	sadd.s32 $0x80, s28;
	[sflag:s17] =	ssyncadd.s32 $0xFFFFC000  }
0xa7: {  	[tilespmem:s20], [sflag:$0x2] =	stream.indirect.gather [hbm4b:s4+s19], $0x80, s0, s19, $0xb8;
	[tilespmem:$0x1E800] =	vst v63  }
0xa8: {  	_ =	swait.ge [sflag:s21], $0x4000  }
0xa9: {  	[sflag:s21] =	ssyncset.done $0x0  }
0xaa: {  	s30 =	sadd.s32 $0x1400, s28;
	[sflag:s21] =	ssyncadd.s32 $0xFFFFC000  }
0xab: {  	[spmem:s2] =	stream.indirect.scatter.add.f32 [tilespmem:s16], [sflag:$0x3], $0x80, s30, s19, $0xb8;
	[tilespmem:$0x1E800] =	vst v63  }
0xac: {  	_ =	swait.ge [sflag:s17], $0x4000  }
0xad: {  	[sflag:s17] =	ssyncset.done $0x0  }
0xae: {  	s31 =	sadd.s32 $0x100, s28;
	[sflag:s17] =	ssyncadd.s32 $0xFFFFC000  }
0xaf: {  	[tilespmem:s16], [sflag:$0x1] =	stream.indirect.gather [hbm4b:s4+s19], $0x80, s31, s19, $0xb8;
	[tilespmem:$0x1E800] =	vst v63  }
0xb0: {  	_ =	swait.ge [sflag:s22], $0x4000  }
0xb1: {  	[sflag:s22] =	ssyncset.done $0x0  }
0xb2: {  	s29 =	sadd.s32 $0x1480, s28;
	[sflag:s22] =	ssyncadd.s32 $0xFFFFC000  }
0xb3: {  	[spmem:s2] =	stream.indirect.scatter.add.f32 [tilespmem:s20], [sflag:$0x3], $0x80, s29, s19, $0xb8;
	[tilespmem:$0x1E800] =	vst v63  }
0xb4: {  	_ =	swait.ge [sflag:s17], $0x4000  }
0xb5: {  	[sflag:s17] =	ssyncset.done $0x0  }
0xb6: {  	[sflag:s17] =	ssyncadd.s32 $0xFFFFC000  }
0xb7: {  	[tilespmem:s20], [sflag:$0x2] =	stream.indirect.gather [hbm4b:s4+s19], $0x80, s23, s19, $0xb8;
	[tilespmem:$0x1E800] =	vst v63  }
0xb8: {  	_ =	swait.ge [sflag:s21], $0x4000  }
0xb9: {  	[sflag:s21] =	ssyncset.done $0x0  }
0xba: {  	[sflag:s21] =	ssyncadd.s32 $0xFFFFC000  }
0xbb: {  	[spmem:s2] =	stream.indirect.scatter.add.f32 [tilespmem:s16], [sflag:$0x3], $0x80, s24, s19, $0xb8;
	[tilespmem:$0x1E800] =	vst v63  }
0xbc: {  	_ =	swait.ge [sflag:s17], $0x4000  }
0xbd: {  	[sflag:s17] =	ssyncset.done $0x0  }
0xbe: {  	[sflag:s17] =	ssyncadd.s32 $0xFFFFC000  }
0xbf: {  	_ =	swait.ge [sflag:s22], $0x4000  }
0xc0: {  	[sflag:s22] =	ssyncset.done $0x0  }
0xc1: {  	[sflag:s22] =	ssyncadd.s32 $0xFFFFC000  }
0xc2: {  	[spmem:s2] =	stream.indirect.scatter.add.f32 [tilespmem:s20], [sflag:$0x3], $0x80, s25, s19, $0xb8;
	[tilespmem:$0x1E800] =	vst v63  }
0xc3: {  	_ =	swait.ge [sflag:s17], $0x4000  }
0xc4: {  	s26 =	sadd.s32 $0x1, s26;
	s30 =	sshll.u32 s1, $0x6;
	[sflag:s17] =	ssyncset.done $0x0  }
0xc5: {  	p0 =	sne.s32 s26, s11;
	s0 =	sor.u32 $0x1C03, s30;
	[sflag:s17] =	ssyncadd.s32 $0xFFFFC000  }
.Ltmp3:
0xc6: {  	s31 =	sshrl.u32 s5, $0x3;
	[bflag:$0x0] =	sbarrier.arrive $0xFFFF;
	(pc) =	sbr.rel @p0 .LBB2_1-.Ltmp3, $4  }
0xc7: {  	[hbm:s10], [sflag:s0] =	dma.local [spmem:s31], $0x2800  }
0xc8: {  	_ =	swait.ge [sflag:s17], $0x2800  }
0xc9: {  	[sflag:s17] =	ssyncset.done $0x0  }
0xca: {  	[sflag:s17] =	ssyncadd.s32 $0xFFFFD800  }
0xcb: {  	_ =	sfence.sel $0x180000  }
0xcc: {  	[bflag:$0x0] =	sbarrier.arrive $0xFFFF  }
0xcd: {  	_ =	strace $0x9000004A  }
0xce: {  	[bflag:$0x2] =	sbarrier.arrive $0xFFFF  }
0xcf: {  	p0 =	sne.s32 s1, $0x0;
	s0 =	rddreg [dreg:$0x3]  }
0xd0: {  	s0 =	sadd.s32 @!p0 $0x100000, s0  }
0xd1: {  	[sflag:s0] =	ssyncadd.tile.s32 @!p0 $0x1;
	_ =	shalt  }
.Lfunc_end2:
_tile_overlayer_lowered:
.L_overlay_start_2:
0xd2: {  	(tag) =	ssettag $0x2  }
0xd3: {  	s0 =	rddreg [dreg:$0x0];
	s2 =	stileid.u32  }
0xd4: {  	s1 =	rddreg [dreg:$0x1];
	p0 =	sne.s32 s2, $0x0  }
0xd5: {  	s3 =	rddreg [dreg:$0x2];
	[bflag:$0x3] =	sbarrier.arrive $0xFFFF;
	s2 =	simm.s32 @!p0 $0x1C03  }
0xd6: {  	[timem:s3], [sflag:s2] =	dma.local @!p0 [hbm:s0], s1  }
0xd7: {  	s0 =	simm.s32 @!p0 $0x3  }
0xd8: {  	_ =	swait.ge @!p0 [sflag:s0], s1  }
0xd9: {  	s1 =	ssub.s32 @!p0 $0x0, s1;
	[sflag:s0] =	ssyncset.done @!p0 $0x0  }
0xda: {  	[sflag:s0] =	ssyncadd.s32 @!p0 s1  }
0xdb: {  	[bflag:$0x3] =	sbarrier.arrive $0xFFFF  }
0xdc: {  	_ =	shalt  }

// kernel: kernel.15.cloned.1.call-start
scs
__scs_entry_jumppad:
0x0: {  	(pc) =	sbr.rel $0x88, $3  }
0x1: {  	(tag) =	ssettag $0x0;
	lr =	simm.s32 $0x1  }
0x2: {  	[smem:$0x3F97] =	sst lr;
	_ =	strace $0xD0000000  }
0x3: {  	_ = 	snop  }
0x4: {  	_ = 	snop  }
0x5: {  	_ = 	snop  }
0x6: {  	_ = 	snop  }
0x7: {  	_ = 	snop  }
__scs_overlays_trampoline_lowered:
0x8: {  	[smem:$0x3FA6] =	sst s0  }
0x9: {  	[smem:$0x3FA7] =	sst s1  }
0xa: {  	[smem:$0x3FA8] =	sst s2  }
0xb: {  	[smem:$0x3FA9] =	sst s3  }
0xc: {  	[smem:$0x3FAA] =	sst s4  }
0xd: {  	[smem:$0x3FAB] =	sst s5  }
0xe: {  	[smem:$0x3FAC] =	sst s6  }
0xf: {  	[smem:$0x3FAD] =	sst s7  }
0x10: {  	[smem:$0x3FAE] =	sst s8  }
0x11: {  	[smem:$0x3FAF] =	sst s9;
	s0 =	simm.s32 @!p0 $0x0  }
0x12: {  	s1 =	sld [smem:$0x3F95];
	s0 =	simm.s32 @p0 $0x1  }
0x13: {  	[smem:$0x3FB0] =	sst s0;
	s0 =	simm.s32 @!p1 $0x0  }
0x14: {  	s2 =	sld [smem:$0x3F94];
	s0 =	simm.s32 @p1 $0x1  }
0x15: {  	[smem:$0x3FB1] =	sst s0;
	s0 =	simm.s32 @!p2 $0x0  }
0x16: {  	s3 =	sld [smem:$0x3FDB];
	s0 =	simm.s32 @p2 $0x1  }
0x17: {  	s4 =	simm.s32 $0x1BF5;
	[smem:$0x3FB3] =	sst s0  }
0x18: {  	s0 =	sld [smem:$0x3F96];
	_ =	swait.ge [sflag:s4], $0x0  }
0x19: {  	s7 =	sld [smem:$0x3F97]  }
0x1a: {  	s8 =	sadd.s32 $0xFFFFE003, lr  }
0x1b: {  	s9 =	sadd.s32 $0xFFFFFEF7, lr;
	s5 =	simm.s32 $0xFFFFFFFF;
	p2 =	slt.u32 s8, $0xFFFFF086  }
0x1c: {  	p1 =	slt.u32 s9, $0xF7A;
	s5 =	simm.s32 @!p2 $0x0  }
0x1d: {  	s5 =	simm.s32 @p1 $0x1;
	p0 =	seq.s32 s7, s2  }
0x1e: {  	s7 =	smul.u32 @!p0 $0xF7A, s2;
	p2 =	seq.s32 @!p0 s5, $0x0  }
0x1f: {  	s9 =	smul.u32 $0xF7A, s1;
	s8 =	simm.s32 @!p0 $0x1BF5;
	p2 =	por !p2, p0  }
0x20: {  	[sflag:s8] =	ssyncset.s32 @!p0 $0xFFFFF086;
	s6 =	sadd.s32 @!p0 s3, s7;
	s7 =	simm.s32 @!p0 $0x108  }
0x21: {  	s3 =	sadd.s32 s3, s9;
	s6 =	sadd.s32 @!p0 $0x88, s6;
	s7 =	simm.s32 @p2 $0x1082  }
0x22: {  	[simem:s7], [sflag:s8] =	dma.local @!p0 [hbm:s6], $0xF7A  }
0x23: {  	s9 =	sor.u32 $0xD0000000, s2;
	s6 =	simm.s32 $0x108;
	_ =	swait.ge @!p0 [sflag:s8], $0x0  }
0x24: {  	s3 =	sadd.s32 $0x88, s3;
	s6 =	simm.s32 @!p1 $0x1082;
	[sflag:s4] =	ssyncset.s32 $0xFFFFF086  }
0x25: {  	[simem:s6], [sflag:s4] =	dma.local [hbm:s3], $0xF7A  }
0x26: {  	[smem:$0x3F97] =	sst s1;
	(tag) =	ssettag s2;
	_ =	strace s9  }
0x27: {  	s1 =	sld [smem:$0x3FA7]  }
0x28: {  	s2 =	sld [smem:$0x3FA8]  }
0x29: {  	s4 =	sld [smem:$0x3FAA]  }
0x2a: {  	p0 =	seq.s32 s5, $0x0;
	s5 =	sld [smem:$0x3FAB]  }
0x2b: {  	s6 =	sld [smem:$0x3FAC]  }
0x2c: {  	s7 =	sld [smem:$0x3FAD]  }
0x2d: {  	s3 =	simm.s32 $0x108;
	s8 =	sld [smem:$0x3FAE]  }
0x2e: {  	s3 =	simm.s32 @!p0 $0x1082;
	s9 =	sld [smem:$0x3FAF]  }
0x2f: {  	lr =	sadd.s32 s0, s3;
	s0 =	sld [smem:$0x3FA6]  }
0x30: {  	s3 =	sld [smem:$0x3FA9]  }
0x31: {  	[smem:$0x3FB2] =	sst s10  }
0x32: {  	s10 =	sld [smem:$0x3FB0];
	_ =	sdelay $0x3  }
0x33: {  	p0 =	seq.s32 s10, $0x1;
	s10 =	sld [smem:$0x3FB2];
	_ =	sdelay $0x3  }
0x34: {  	[smem:$0x3FB2] =	sst s10  }
0x35: {  	s10 =	sld [smem:$0x3FB1];
	_ =	sdelay $0x3  }
0x36: {  	p1 =	seq.s32 s10, $0x1;
	s10 =	sld [smem:$0x3FB2];
	_ =	sdelay $0x3  }
0x37: {  	[smem:$0x3FB2] =	sst s10  }
0x38: {  	s10 =	sld [smem:$0x3FB3]  }
0x39: {  	_ = 	snop;
	(pc) =	sbr.ind lr, $3  }
0x3a: {  	_ = 	snop  }
0x3b: {  	_ = 	snop  }
0x3c: {  	p2 =	seq.s32 s10, $0x1;
	s10 =	sld [smem:$0x3FB2]  }
0x3d: {  	_ =	shalt  }
0x3e: {  	_ =	shalt  }
0x3f: {  	_ =	shalt  }
0x40: {  	_ =	shalt  }
0x41: {  	_ =	shalt  }
0x42: {  	_ =	shalt  }
0x43: {  	_ =	shalt  }
0x44: {  	_ =	shalt  }
0x45: {  	_ =	shalt  }
0x46: {  	_ =	shalt  }
0x47: {  	_ =	shalt  }
0x48: {  	_ =	shalt  }
0x49: {  	_ =	shalt  }
0x4a: {  	_ =	shalt  }
0x4b: {  	_ =	shalt  }
0x4c: {  	_ =	shalt  }
0x4d: {  	_ =	shalt  }
0x4e: {  	_ =	shalt  }
0x4f: {  	_ =	shalt  }
0x50: {  	_ =	shalt  }
0x51: {  	_ =	shalt  }
0x52: {  	_ =	shalt  }
0x53: {  	_ =	shalt  }
0x54: {  	_ =	shalt  }
0x55: {  	_ =	shalt  }
0x56: {  	_ =	shalt  }
0x57: {  	_ =	shalt  }
0x58: {  	_ =	shalt  }
0x59: {  	_ =	shalt  }
0x5a: {  	_ =	shalt  }
0x5b: {  	_ =	shalt  }
0x5c: {  	_ =	shalt  }
0x5d: {  	_ =	shalt  }
0x5e: {  	_ =	shalt  }
0x5f: {  	_ =	shalt  }
0x60: {  	_ =	shalt  }
0x61: {  	_ =	shalt  }
0x62: {  	_ =	shalt  }
0x63: {  	_ =	shalt  }
0x64: {  	_ =	shalt  }
0x65: {  	_ =	shalt  }
0x66: {  	_ =	shalt  }
0x67: {  	_ =	shalt  }
0x68: {  	_ =	shalt  }
0x69: {  	_ =	shalt  }
0x6a: {  	_ =	shalt  }
0x6b: {  	_ =	shalt  }
0x6c: {  	_ =	shalt  }
0x6d: {  	_ =	shalt  }
0x6e: {  	_ =	shalt  }
0x6f: {  	_ =	shalt  }
0x70: {  	_ =	shalt  }
0x71: {  	_ =	shalt  }
0x72: {  	_ =	shalt  }
0x73: {  	_ =	shalt  }
0x74: {  	_ =	shalt  }
0x75: {  	_ =	shalt  }
0x76: {  	_ =	shalt  }
0x77: {  	_ =	shalt  }
0x78: {  	_ =	shalt  }
0x79: {  	_ =	shalt  }
0x7a: {  	_ =	shalt  }
0x7b: {  	_ =	shalt  }
0x7c: {  	_ =	shalt  }
0x7d: {  	_ =	shalt  }
0x7e: {  	_ =	shalt  }
0x7f: {  	_ =	shalt  }
0x80: {  	_ =	shalt  }
0x81: {  	_ =	shalt  }
0x82: {  	_ =	shalt  }
0x83: {  	_ =	shalt  }
0x84: {  	_ =	shalt  }
0x85: {  	_ =	shalt  }
0x86: {  	_ =	shalt  }
0x87: {  	_ =	shalt  }
.Lfunc_end0:
.L_simem_size_0:
called_computation.2_lowered:
.L_overlay_start_0:
0x88: {  	s2 =	sld [smem:$0x3FD9]  }
0x89: {  	s3 =	sld [smem:$0x3FFE];
	_ =	sdelay $0x1  }
0x8a: {  	s1 =	srdreg.scid  }
0x8b: {  	s0 =	sand.u32 $0x1, s1  }
0x8c: {  	s17 =	sshll.u32 s0, $0xA;
	s2 =	sadd.s32 s3, s2  }
0x8d: {  	s2 =	sadd.s32 s2, s17  }
0x8e: {  	[smem:$0x3FBE] =	sst s2  }
0x8f: {  	_ = 	snop  }
0x90: {  	s2 =	sld [smem:$0x3FD0];
	(tm) =	ssettm $0x1  }
0x91: {  	s18 =	sld [smem:$0x3FFB];
	_ =	sdelay $0x3  }
0x92: {  	_ =	strace s18  }
0x93: {  	s3 =	sld [smem:$0x3FFC];
	_ =	sdelay $0x3  }
0x94: {  	_ =	strace s3  }
0x95: {  	s3 =	sld [smem:$0x3FFD];
	_ =	sdelay $0x3  }
0x96: {  	_ =	strace s3  }
0x97: {  	_ =	strace $0x8FFFFFFF  }
0x98: {  	s19 =	sld [smem:$0x3FDB];
	_ =	sdelay $0x1  }
0x99: {  	s4 =	simm.s32 $_scs_section_size  }
0x9a: {  	s5 =	simm.s32 $_size__tile_overlayer_lowered;
	s6 =	simm.s32 $_tile_overlayer_lowered  }
0x9b: {  	s22 =	simm.s32 $0x1BFF;
	s21 =	sshll.u32 s6, $0x1;
	s3 =	sadd.s32 s4, s19  }
0x9c: {  	s7 =	simm.s32 $0x0;
	s20 =	sshll.u32 s5, $0x1;
	s5 =	sadd.s32 s21, s3  }
0x9d: {  	[timem:s7], [sflag:s22] =	dma.local [hbm:s5], s20  }
0x9e: {  	_ =	swait.ge [sflag:s22], s20  }
0x9f: {  	s4 =	ssub.s32 $0x0, s20;
	[sflag:s22] =	ssyncset.done $0x0  }
0xa0: {  	[sflag:s22] =	ssyncadd.s32 s4;
	_ =	sdelay $0x1  }
0xa1: {  	s23 =	simm.s32 $0x1B8B  }
0xa2: {  	_ =	swait.ge [sflag:s23], $0x1  }
0xa3: {  	[sflag:s23] =	ssyncset.done $0x0  }
0xa4: {  	s25 =	simm.s32 $0x1B8E;
	s24 =	sld [smem:$0x3FFE];
	[sflag:s23] =	ssyncadd.s32 $0xFFFFFFFF  }
0xa5: {  	s26 =	simm.s32 $execute0_lowered;
	[smem:$0x3FD2] =	sst s25  }
0xa6: {  	s5 =	sshll.u32 s26, $0x1;
	_ =	strace $0x8000004C;
	[dreg:$0x1] =	wrdreg $0xFFFFFFFF  }
0xa7: {  	s28 =	simm.s32 $_size_execute0_lowered;
	s3 =	sadd.s32 s3, s5;
	[dreg:$0x0] =	wrdreg $0x0  }
0xa8: {  	s5 =	sshll.u32 s28, $0x1;
	[dreg:$0x2] =	wrdreg s3  }
0xa9: {  	[dreg:$0x3] =	wrdreg s5  }
0xaa: {  	[dreg:$0x4] =	wrdreg $0xC0  }
0xab: {  	_ =	task [dreg:s7], $0x5FFFF  }
0xac: {  	[dreg:$0x1] =	wrdreg $0xFFFFFFFF  }
0xad: {  	[dreg:$0x0] =	wrdreg $0x60  }
0xae: {  	[dreg:$0x2] =	wrdreg s2  }
0xaf: {  	[dreg:$0x3] =	wrdreg s24  }
0xb0: {  	[dreg:$0x4] =	wrdreg $0xA8000  }
0xb1: {  	[dreg:$0x5] =	wrdreg $0x9  }
0xb2: {  	_ =	task.clear_ibuf [dreg:s7], $0x6FFFF;
	_ =	strace $0x9000004C  }
0xb3: {  	s29 =	simm.s32 $0x9;
	_ =	strace $0x8000004E  }
0xb4: {  	_ =	swait.ge [sflag:s29], $0x1  }
0xb5: {  	[sflag:s29] =	ssyncadd.s32 $0xFFFFFFFF  }
0xb6: {  	_ =	strace $0x9000004E  }
0xb7: {  	_ =	sfence  }
0xb8: {  	s30 =	sld [smem:$0x0];
	_ =	sdelay $0x2  }
0xb9: {  	s31 =	sshll.u32 s1, $0xD;
	s1 =	sshrl.u32 s1, $0x2  }
0xba: {  	s3 =	sand.u32 $0x4000, s31;
	s1 =	sadd.s32 s1, s30  }
0xbb: {  	s0 =	sor.u32 s3, s0;
	s1 =	sshll.u32 s1, $0x11  }
0xbc: {  	s0 =	sor.u32 s1, s0  }
0xbd: {  	s0 =	sadd.s32 $0x8F2B, s0  }
0xbe: {  	[sflag:s0] =	ssyncadd.remote.s32 $0x1  }
0xbf: {  	_ =	sfence.sel $0xFFFF  }
0xc0: {  	[dreg:$0x0] =	wrdreg $0xFFFFFFFF;
	(pc) =	sbr.abs _section_cstart, $3  }
0xc1: {  	[dreg:$0x1] =	wrdreg $0xFFFFFFFF  }
0xc2: {  	_ =	task.clear_ibuf [dreg:s7], $0x2FFFF;
	_ =	strace $0x9FFFFFFF  }
0xc3: {  	(tm) =	ssettm $0x7FFFFFFF  }
tec
execute0_lowered:
.L_overlay_start_1:
0x0: {  	(tag) =	ssettag $0x1  }
0x1: {  	s14 =	rddreg [dreg:$0x0]  }
0x2: {  	s5 =	rddreg [dreg:$0x1];
	s0 =	srdreg.scid  }
0x3: {  	s2 =	rddreg [dreg:$0x2];
	s1 =	stileid.u32;
	s3 =	simm.s32 $0x0  }
0x4: {  	s17 =	simm.s32 $0x3;
	s18 =	simm.s32 $0x1400;
	s19 =	simm.s32 $0x80  }
0x5: {  	s20 =	simm.s32 $0x6800;
	s21 =	simm.s32 $0x1;
	s22 =	simm.s32 $0x2  }
0x6: {  	s23 =	simm.s32 $0x1380;
	s24 =	simm.s32 $0x2700;
	s25 =	simm.s32 $0x2780  }
0x7: {  	s26 =	simm.s32 $0x0;
	s6 =	sand.u32 $0x1, s0;
	s7 =	smul.u32 $0x14000, s1  }
0x8: {  	[smem:$0x7FF] =	sst s3;
	s15 =	sadd.s32 $0x2600, s5;
	s8 =	smul.u32 $0x50000, s1  }
0x9: {  	s28 =	sshll.u32 s1, $0x1;
	s4 =	smul.u32 $0x140000, s6;
	_ =	strace $0x8000004D  }
0xa: {  	s29 =	ssub.s32 $0x2, s6;
	s6 =	sor.u32 s6, s28;
	s30 =	sshrl.u32 s8, $0x2  }
0xb: {  	s31 =	sshrl.u32 s29, $0x1;
	s11 =	smul.u32 $0x2800, s6;
	s4 =	sadd.s32 s7, s4  }
0xc: {  	s12 =	ssub.s32 s29, s31;
	s7 =	sshrl.u32 s4, $0x3;
	s4 =	sadd.s32 $0xC600, s5  }
0xd: {  	s13 =	sshrl.u32 s11, $0x3;
	s11 =	smax.u32 s12, $0x1;
	s10 =	sadd.s32 s7, s5  }
0xe: {  	s5 =	sadd.s32 s30, s2;
	s16 =	sadd.s32 $0x280, s13;
	s12 =	sadd.s32 s14, s13  }
0xf: {  	s13 =	sadd.s32 s15, s13;
	s6 =	sadd.s32 $0x4000, s5;
	s7 =	sadd.s32 $0x8000, s5  }
0x10: {  	s8 =	sadd.s32 $0xC000, s5;
	s9 =	sadd.s32 $0x10000, s5;
	s10 =	sadd.s32 $0x34600, s10  }
0x11: {  	v0 =	vimm.f32 $0.0e+00;
	s14 =	sadd.s32 s14, s16;
	s15 =	sadd.s32 s15, s16;
	s16 =	simm.s32 $0x2800  }
.LBB2_1:
0x12: {  	s28 =	sand.u32 $0xFE00, s3  }
0x13: {  	s29 =	sand.u32 $0x70, s3;
	s30 =	sshrl.u32 s28, $0x2  }
0x14: {  	s28 =	simm.s32 $0x40;
	s30 =	sor.u32 s29, s30;
	s29 =	simm.s32 $0x0  }
.LBB2_2:
0x15: {  	p0 =	sne.s32 s28, $0xFFC0  }
0x16: {  	[tilespmem:s30+$0x2800] =	vst v0;
	s29 =	sadd.s32 $0x10, s29;
	s30 =	smov.u32 s28;
	s28 =	sadd.s32 $0x40, s28  }
.Ltmp0:
0x17: {  	(pc) =	sbr.rel @p0 .LBB2_2-.Ltmp0, $4  }
0x18: {  	_ = 	snop  }
0x19: {  	s30 =	sand.u32 $0xFE00, s30  }
0x1a: {  	s31 =	sand.u32 $0x70, s29;
	s30 =	sshrl.u32 s30, $0x2  }
0x1b: {  	s30 =	sor.u32 s31, s30  }
0x1c: {  	[tilespmem:s30+$0x2800] =	vst v0  }
0x1d: {  	[spmem:s5] =	stream.linear.scatter [tilespmem:s16], [sflag:$0x3], $0x4000, $0x38;
	[tilespmem:$0x1E800] =	vst v63  }
0x1e: {  	_ =	swait.ge [sflag:s17], $0x4000  }
0x1f: {  	[sflag:s17] =	ssyncset.done $0x0  }
0x20: {  	[sflag:s17] =	ssyncadd.s32 $0xFFFFC000  }
0x21: {  	[spmem:s6] =	stream.linear.scatter [tilespmem:s16], [sflag:$0x3], $0x4000, $0x38;
	[tilespmem:$0x1E800] =	vst v63  }
0x22: {  	_ =	swait.ge [sflag:s17], $0x4000  }
0x23: {  	[sflag:s17] =	ssyncset.done $0x0  }
0x24: {  	[sflag:s17] =	ssyncadd.s32 $0xFFFFC000  }
0x25: {  	[spmem:s7] =	stream.linear.scatter [tilespmem:s16], [sflag:$0x3], $0x4000, $0x38;
	[tilespmem:$0x1E800] =	vst v63  }
0x26: {  	_ =	swait.ge [sflag:s17], $0x4000  }
0x27: {  	[sflag:s17] =	ssyncset.done $0x0  }
0x28: {  	[sflag:s17] =	ssyncadd.s32 $0xFFFFC000  }
0x29: {  	[spmem:s8] =	stream.linear.scatter [tilespmem:s16], [sflag:$0x3], $0x4000, $0x38;
	[tilespmem:$0x1E800] =	vst v63  }
0x2a: {  	_ =	swait.ge [sflag:s17], $0x4000  }
0x2b: {  	[sflag:s17] =	ssyncset.done $0x0  }
0x2c: {  	[sflag:s17] =	ssyncadd.s32 $0xFFFFC000  }
0x2d: {  	[spmem:s9] =	stream.linear.scatter [tilespmem:s16], [sflag:$0x3], $0x4000, $0x38;
	[tilespmem:$0x1E800] =	vst v63  }
0x2e: {  	_ =	swait.ge [sflag:s17], $0x4000  }
0x2f: {  	[sflag:s17] =	ssyncset.done $0x0  }
0x30: {  	[sflag:s17] =	ssyncadd.s32 $0xFFFFC000  }
0x31: {  	s28 =	simm.s32 $0x0;
	[bflag:$0x0] =	sbarrier.arrive $0xFFFF  }
0x32: {  	[tilespmem:s28], [sflag:$0x3] =	stream.linear.gather [hbm4b:s12+s28], $0x1400, $0x38;
	[tilespmem:$0x1E800] =	vst v63  }
0x33: {  	_ =	swait.ge [sflag:s17], $0x1400  }
0x34: {  	[sflag:s17] =	ssyncset.done $0x0  }
0x35: {  	[sflag:s17] =	ssyncadd.s32 $0xFFFFEC00  }
0x36: {  	[tilespmem:s18], [sflag:$0x3] =	stream.linear.gather [hbm4b:s13+s28], $0x1400, $0x38;
	[tilespmem:$0x1E800] =	vst v63  }
0x37: {  	_ =	swait.ge [sflag:s17], $0x1400  }
0x38: {  	[sflag:s17] =	ssyncset.done $0x0  }
0x39: {  	[sflag:s17] =	ssyncadd.s32 $0xFFFFEC00  }
0x3a: {  	[tilespmem:s16], [sflag:$0x1] =	stream.indirect.gather [hbm4b:s4+s19], $0x80, s28, s19, $0xb8;
	[tilespmem:$0x1E800] =	vst v63  }
0x3b: {  	s28 =	simm.s32 $0x80  }
0x3c: {  	[tilespmem:s20], [sflag:$0x2] =	stream.indirect.gather [hbm4b:s4+s19], $0x80, s28, s19, $0xb8;
	[tilespmem:$0x1E800] =	vst v63  }
0x3d: {  	_ =	swait.ge [sflag:s21], $0x4000  }
0x3e: {  	[sflag:s21] =	ssyncset.done $0x0  }
0x3f: {  	s28 =	simm.s32 $0x1400;
	[sflag:s21] =	ssyncadd.s32 $0xFFFFC000  }
0x40: {  	[spmem:s2] =	stream.indirect.scatter.add.f32 [tilespmem:s16], [sflag:$0x3], $0x80, s28, s19, $0xb8;
	[tilespmem:$0x1E800] =	vst v63  }
0x41: {  	_ =	swait.ge [sflag:s17], $0x4000  }
0x42: {  	[sflag:s17] =	ssyncset.done $0x0  }
0x43: {  	s28 =	simm.s32 $0x100;
	[sflag:s17] =	ssyncadd.s32 $0xFFFFC000  }
0x44: {  	[tilespmem:s16], [sflag:$0x1] =	stream.indirect.gather [hbm4b:s4+s19], $0x80, s28, s19, $0xb8;
	[tilespmem:$0x1E800] =	vst v63  }
0x45: {  	_ =	swait.ge [sflag:s22], $0x4000  }
0x46: {  	[sflag:s22] =	ssyncset.done $0x0  }
0x47: {  	s28 =	simm.s32 $0x1480;
	[sflag:s22] =	ssyncadd.s32 $0xFFFFC000  }
0x48: {  	[spmem:s2] =	stream.indirect.scatter.add.f32 [tilespmem:s20], [sflag:$0x3], $0x80, s28, s19, $0xb8;
	[tilespmem:$0x1E800] =	vst v63  }
0x49: {  	_ =	swait.ge [sflag:s17], $0x4000  }
0x4a: {  	s29 =	simm.s32 $0x800;
	s28 =	simm.s32 $0x100;
	[sflag:s17] =	ssyncset.done $0x0  }
.LBB2_4:
0x4b: {  	s30 =	sadd.s32 $0x80, s28  }
0x4c: {  	[sflag:s17] =	ssyncadd.s32 $0xFFFFC000;
	s31 =	smov.u32 s29;
	s0 =	sadd.s32 $0x400, s29  }
0x4d: {  	[tilespmem:s20], [sflag:$0x2] =	stream.indirect.gather [hbm4b:s4+s19], $0x80, s30, s19, $0xb8;
	[tilespmem:$0x1E800] =	vst v63  }
0x4e: {  	p0 =	sne.s32 s29, $0x4800;
	_ =	swait.ge [sflag:s21], $0x4000  }
0x4f: {  	[sflag:s21] =	ssyncset.done $0x0  }
0x50: {  	s29 =	sadd.s32 $0x1400, s28;
	[sflag:s21] =	ssyncadd.s32 $0xFFFFC000  }
0x51: {  	[spmem:s2] =	stream.indirect.scatter.add.f32 [tilespmem:s16], [sflag:$0x3], $0x80, s29, s19, $0xb8;
	[tilespmem:$0x1E800] =	vst v63  }
0x52: {  	_ =	swait.ge [sflag:s17], $0x4000  }
0x53: {  	[sflag:s17] =	ssyncset.done $0x0  }
0x54: {  	s29 =	sadd.s32 $0x100, s28;
	[sflag:s17] =	ssyncadd.s32 $0xFFFFC000  }
0x55: {  	[tilespmem:s16], [sflag:$0x1] =	stream.indirect.gather [hbm4b:s4+s19], $0x80, s29, s19, $0xb8;
	[tilespmem:$0x1E800] =	vst v63  }
0x56: {  	_ =	swait.ge [sflag:s22], $0x4000  }
.Ltmp1:
0x57: {  	[sflag:s22] =	ssyncset.done $0x0;
	(pc) =	sbr.rel @p0 .LBB2_4-.Ltmp1, $4  }
0x58: {  	s28 =	sadd.s32 $0x1480, s28;
	[sflag:s22] =	ssyncadd.s32 $0xFFFFC000  }
0x59: {  	[spmem:s2] =	stream.indirect.scatter.add.f32 [tilespmem:s20], [sflag:$0x3], $0x80, s28, s19, $0xb8;
	[tilespmem:$0x1E800] =	vst v63  }
0x5a: {  	_ =	swait.ge [sflag:s17], $0x4000  }
0x5b: {  	s29 =	smov.u32 s0;
	s28 =	sshra.s32 s31, $0x2;
	[sflag:s17] =	ssyncset.done $0x0  }
0x5c: {  	s0 =	sadd.s32 $0x80, s28;
	[sflag:s17] =	ssyncadd.s32 $0xFFFFC000  }
0x5d: {  	[tilespmem:s20], [sflag:$0x2] =	stream.indirect.gather [hbm4b:s4+s19], $0x80, s0, s19, $0xb8;
	[tilespmem:$0x1E800] =	vst v63  }
0x5e: {  	_ =	swait.ge [sflag:s21], $0x4000  }
0x5f: {  	[sflag:s21] =	ssyncset.done $0x0  }
0x60: {  	s30 =	sadd.s32 $0x1400, s28;
	[sflag:s21] =	ssyncadd.s32 $0xFFFFC000  }
0x61: {  	[spmem:s2] =	stream.indirect.scatter.add.f32 [tilespmem:s16], [sflag:$0x3], $0x80, s30, s19, $0xb8;
	[tilespmem:$0x1E800] =	vst v63  }
0x62: {  	_ =	swait.ge [sflag:s17], $0x4000  }
0x63: {  	[sflag:s17] =	ssyncset.done $0x0  }
0x64: {  	s31 =	sadd.s32 $0x100, s28;
	[sflag:s17] =	ssyncadd.s32 $0xFFFFC000  }
0x65: {  	[tilespmem:s16], [sflag:$0x1] =	stream.indirect.gather [hbm4b:s4+s19], $0x80, s31, s19, $0xb8;
	[tilespmem:$0x1E800] =	vst v63  }
0x66: {  	_ =	swait.ge [sflag:s22], $0x4000  }
0x67: {  	[sflag:s22] =	ssyncset.done $0x0  }
0x68: {  	s30 =	sadd.s32 $0x1480, s28;
	[sflag:s22] =	ssyncadd.s32 $0xFFFFC000  }
0x69: {  	[spmem:s2] =	stream.indirect.scatter.add.f32 [tilespmem:s20], [sflag:$0x3], $0x80, s30, s19, $0xb8;
	[tilespmem:$0x1E800] =	vst v63  }
0x6a: {  	_ =	swait.ge [sflag:s17], $0x4000  }
0x6b: {  	[sflag:s17] =	ssyncset.done $0x0  }
0x6c: {  	[sflag:s17] =	ssyncadd.s32 $0xFFFFC000  }
0x6d: {  	[tilespmem:s20], [sflag:$0x2] =	stream.indirect.gather [hbm4b:s4+s19], $0x80, s23, s19, $0xb8;
	[tilespmem:$0x1E800] =	vst v63  }
0x6e: {  	_ =	swait.ge [sflag:s21], $0x4000  }
0x6f: {  	[sflag:s21] =	ssyncset.done $0x0  }
0x70: {  	[sflag:s21] =	ssyncadd.s32 $0xFFFFC000  }
0x71: {  	[spmem:s2] =	stream.indirect.scatter.add.f32 [tilespmem:s16], [sflag:$0x3], $0x80, s24, s19, $0xb8;
	[tilespmem:$0x1E800] =	vst v63  }
0x72: {  	_ =	swait.ge [sflag:s17], $0x4000  }
0x73: {  	[sflag:s17] =	ssyncset.done $0x0  }
0x74: {  	[sflag:s17] =	ssyncadd.s32 $0xFFFFC000  }
0x75: {  	_ =	swait.ge [sflag:s22], $0x4000  }
0x76: {  	[sflag:s22] =	ssyncset.done $0x0  }
0x77: {  	[sflag:s22] =	ssyncadd.s32 $0xFFFFC000  }
0x78: {  	[spmem:s2] =	stream.indirect.scatter.add.f32 [tilespmem:s20], [sflag:$0x3], $0x80, s25, s19, $0xb8;
	[tilespmem:$0x1E800] =	vst v63  }
0x79: {  	_ =	swait.ge [sflag:s17], $0x4000  }
0x7a: {  	[sflag:s17] =	ssyncset.done $0x0  }
0x7b: {  	s31 =	simm.s32 $0x0;
	[sflag:s17] =	ssyncadd.s32 $0xFFFFC000  }
0x7c: {  	[tilespmem:s31], [sflag:$0x3] =	stream.linear.gather [hbm4b:s14+s31], $0x1400, $0x38;
	[tilespmem:$0x1E800] =	vst v63  }
0x7d: {  	_ =	swait.ge [sflag:s17], $0x1400  }
0x7e: {  	[sflag:s17] =	ssyncset.done $0x0  }
0x7f: {  	[sflag:s17] =	ssyncadd.s32 $0xFFFFEC00  }
0x80: {  	[tilespmem:s18], [sflag:$0x3] =	stream.linear.gather [hbm4b:s15+s31], $0x1400, $0x38;
	[tilespmem:$0x1E800] =	vst v63  }
0x81: {  	_ =	swait.ge [sflag:s17], $0x1400  }
0x82: {  	[sflag:s17] =	ssyncset.done $0x0  }
0x83: {  	[sflag:s17] =	ssyncadd.s32 $0xFFFFEC00  }
0x84: {  	[tilespmem:s16], [sflag:$0x1] =	stream.indirect.gather [hbm4b:s4+s19], $0x80, s31, s19, $0xb8;
	[tilespmem:$0x1E800] =	vst v63  }
0x85: {  	s30 =	simm.s32 $0x80  }
0x86: {  	[tilespmem:s20], [sflag:$0x2] =	stream.indirect.gather [hbm4b:s4+s19], $0x80, s30, s19, $0xb8;
	[tilespmem:$0x1E800] =	vst v63  }
0x87: {  	_ =	swait.ge [sflag:s21], $0x4000  }
0x88: {  	[sflag:s21] =	ssyncset.done $0x0  }
0x89: {  	s31 =	simm.s32 $0x1400;
	[sflag:s21] =	ssyncadd.s32 $0xFFFFC000  }
0x8a: {  	[spmem:s2] =	stream.indirect.scatter.add.f32 [tilespmem:s16], [sflag:$0x3], $0x80, s31, s19, $0xb8;
	[tilespmem:$0x1E800] =	vst v63  }
0x8b: {  	_ =	swait.ge [sflag:s17], $0x4000  }
0x8c: {  	[sflag:s17] =	ssyncset.done $0x0  }
0x8d: {  	s30 =	simm.s32 $0x100;
	[sflag:s17] =	ssyncadd.s32 $0xFFFFC000  }
0x8e: {  	[tilespmem:s16], [sflag:$0x1] =	stream.indirect.gather [hbm4b:s4+s19], $0x80, s30, s19, $0xb8;
	[tilespmem:$0x1E800] =	vst v63  }
0x8f: {  	_ =	swait.ge [sflag:s22], $0x4000  }
0x90: {  	[sflag:s22] =	ssyncset.done $0x0  }
0x91: {  	s31 =	simm.s32 $0x1480;
	[sflag:s22] =	ssyncadd.s32 $0xFFFFC000  }
0x92: {  	[spmem:s2] =	stream.indirect.scatter.add.f32 [tilespmem:s20], [sflag:$0x3], $0x80, s31, s19, $0xb8;
	[tilespmem:$0x1E800] =	vst v63  }
0x93: {  	_ =	swait.ge [sflag:s17], $0x4000  }
0x94: {  	s29 =	simm.s32 $0x800;
	s28 =	simm.s32 $0x100;
	[sflag:s17] =	ssyncset.done $0x0  }
.LBB2_6:
0x95: {  	s0 =	sadd.s32 $0x80, s28  }
0x96: {  	[sflag:s17] =	ssyncadd.s32 $0xFFFFC000;
	s30 =	smov.u32 s29;
	s31 =	sadd.s32 $0x400, s29  }
0x97: {  	[tilespmem:s20], [sflag:$0x2] =	stream.indirect.gather [hbm4b:s4+s19], $0x80, s0, s19, $0xb8;
	[tilespmem:$0x1E800] =	vst v63  }
0x98: {  	p0 =	sne.s32 s29, $0x4800;
	_ =	swait.ge [sflag:s21], $0x4000  }
0x99: {  	[sflag:s21] =	ssyncset.done $0x0  }
0x9a: {  	s0 =	sadd.s32 $0x1400, s28;
	[sflag:s21] =	ssyncadd.s32 $0xFFFFC000  }
0x9b: {  	[spmem:s2] =	stream.indirect.scatter.add.f32 [tilespmem:s16], [sflag:$0x3], $0x80, s0, s19, $0xb8;
	[tilespmem:$0x1E800] =	vst v63  }
0x9c: {  	_ =	swait.ge [sflag:s17], $0x4000  }
0x9d: {  	[sflag:s17] =	ssyncset.done $0x0  }
0x9e: {  	s0 =	sadd.s32 $0x100, s28;
	[sflag:s17] =	ssyncadd.s32 $0xFFFFC000  }
0x9f: {  	[tilespmem:s16], [sflag:$0x1] =	stream.indirect.gather [hbm4b:s4+s19], $0x80, s0, s19, $0xb8;
	[tilespmem:$0x1E800] =	vst v63  }
0xa0: {  	_ =	swait.ge [sflag:s22], $0x4000  }
.Ltmp2:
0xa1: {  	[sflag:s22] =	ssyncset.done $0x0;
	(pc) =	sbr.rel @p0 .LBB2_6-.Ltmp2, $4  }
0xa2: {  	s0 =	sadd.s32 $0x1480, s28;
	[sflag:s22] =	ssyncadd.s32 $0xFFFFC000  }
0xa3: {  	[spmem:s2] =	stream.indirect.scatter.add.f32 [tilespmem:s20], [sflag:$0x3], $0x80, s0, s19, $0xb8;
	[tilespmem:$0x1E800] =	vst v63  }
0xa4: {  	_ =	swait.ge [sflag:s17], $0x4000  }
0xa5: {  	s29 =	smov.u32 s31;
	s28 =	sshra.s32 s30, $0x2;
	[sflag:s17] =	ssyncset.done $0x0  }
0xa6: {  	s0 =	sadd.s32 $0x80, s28;
	[sflag:s17] =	ssyncadd.s32 $0xFFFFC000  }
0xa7: {  	[tilespmem:s20], [sflag:$0x2] =	stream.indirect.gather [hbm4b:s4+s19], $0x80, s0, s19, $0xb8;
	[tilespmem:$0x1E800] =	vst v63  }
0xa8: {  	_ =	swait.ge [sflag:s21], $0x4000  }
0xa9: {  	[sflag:s21] =	ssyncset.done $0x0  }
0xaa: {  	s30 =	sadd.s32 $0x1400, s28;
	[sflag:s21] =	ssyncadd.s32 $0xFFFFC000  }
0xab: {  	[spmem:s2] =	stream.indirect.scatter.add.f32 [tilespmem:s16], [sflag:$0x3], $0x80, s30, s19, $0xb8;
	[tilespmem:$0x1E800] =	vst v63  }
0xac: {  	_ =	swait.ge [sflag:s17], $0x4000  }
0xad: {  	[sflag:s17] =	ssyncset.done $0x0  }
0xae: {  	s31 =	sadd.s32 $0x100, s28;
	[sflag:s17] =	ssyncadd.s32 $0xFFFFC000  }
0xaf: {  	[tilespmem:s16], [sflag:$0x1] =	stream.indirect.gather [hbm4b:s4+s19], $0x80, s31, s19, $0xb8;
	[tilespmem:$0x1E800] =	vst v63  }
0xb0: {  	_ =	swait.ge [sflag:s22], $0x4000  }
0xb1: {  	[sflag:s22] =	ssyncset.done $0x0  }
0xb2: {  	s29 =	sadd.s32 $0x1480, s28;
	[sflag:s22] =	ssyncadd.s32 $0xFFFFC000  }
0xb3: {  	[spmem:s2] =	stream.indirect.scatter.add.f32 [tilespmem:s20], [sflag:$0x3], $0x80, s29, s19, $0xb8;
	[tilespmem:$0x1E800] =	vst v63  }
0xb4: {  	_ =	swait.ge [sflag:s17], $0x4000  }
0xb5: {  	[sflag:s17] =	ssyncset.done $0x0  }
0xb6: {  	[sflag:s17] =	ssyncadd.s32 $0xFFFFC000  }
0xb7: {  	[tilespmem:s20], [sflag:$0x2] =	stream.indirect.gather [hbm4b:s4+s19], $0x80, s23, s19, $0xb8;
	[tilespmem:$0x1E800] =	vst v63  }
0xb8: {  	_ =	swait.ge [sflag:s21], $0x4000  }
0xb9: {  	[sflag:s21] =	ssyncset.done $0x0  }
0xba: {  	[sflag:s21] =	ssyncadd.s32 $0xFFFFC000  }
0xbb: {  	[spmem:s2] =	stream.indirect.scatter.add.f32 [tilespmem:s16], [sflag:$0x3], $0x80, s24, s19, $0xb8;
	[tilespmem:$0x1E800] =	vst v63  }
0xbc: {  	_ =	swait.ge [sflag:s17], $0x4000  }
0xbd: {  	[sflag:s17] =	ssyncset.done $0x0  }
0xbe: {  	[sflag:s17] =	ssyncadd.s32 $0xFFFFC000  }
0xbf: {  	_ =	swait.ge [sflag:s22], $0x4000  }
0xc0: {  	[sflag:s22] =	ssyncset.done $0x0  }
0xc1: {  	[sflag:s22] =	ssyncadd.s32 $0xFFFFC000  }
0xc2: {  	[spmem:s2] =	stream.indirect.scatter.add.f32 [tilespmem:s20], [sflag:$0x3], $0x80, s25, s19, $0xb8;
	[tilespmem:$0x1E800] =	vst v63  }
0xc3: {  	_ =	swait.ge [sflag:s17], $0x4000  }
0xc4: {  	s26 =	sadd.s32 $0x1, s26;
	s30 =	sshll.u32 s1, $0x6;
	[sflag:s17] =	ssyncset.done $0x0  }
0xc5: {  	p0 =	sne.s32 s26, s11;
	s0 =	sor.u32 $0x1C03, s30;
	[sflag:s17] =	ssyncadd.s32 $0xFFFFC000  }
.Ltmp3:
0xc6: {  	s31 =	sshrl.u32 s5, $0x3;
	[bflag:$0x0] =	sbarrier.arrive $0xFFFF;
	(pc) =	sbr.rel @p0 .LBB2_1-.Ltmp3, $4  }
0xc7: {  	[hbm:s10], [sflag:s0] =	dma.local [spmem:s31], $0x2800  }
0xc8: {  	_ =	swait.ge [sflag:s17], $0x2800  }
0xc9: {  	[sflag:s17] =	ssyncset.done $0x0  }
0xca: {  	[sflag:s17] =	ssyncadd.s32 $0xFFFFD800  }
0xcb: {  	_ =	sfence.sel $0x180000  }
0xcc: {  	[bflag:$0x0] =	sbarrier.arrive $0xFFFF  }
0xcd: {  	_ =	strace $0x9000004D  }
0xce: {  	[bflag:$0x2] =	sbarrier.arrive $0xFFFF  }
0xcf: {  	p0 =	sne.s32 s1, $0x0;
	s0 =	rddreg [dreg:$0x3]  }
0xd0: {  	s0 =	sadd.s32 @!p0 $0x100000, s0  }
0xd1: {  	[sflag:s0] =	ssyncadd.tile.s32 @!p0 $0x1;
	_ =	shalt  }
.Lfunc_end2:
_tile_overlayer_lowered:
.L_overlay_start_2:
0xd2: {  	(tag) =	ssettag $0x2  }
0xd3: {  	s0 =	rddreg [dreg:$0x0];
	s2 =	stileid.u32  }
0xd4: {  	s1 =	rddreg [dreg:$0x1];
	p0 =	sne.s32 s2, $0x0  }
0xd5: {  	s3 =	rddreg [dreg:$0x2];
	[bflag:$0x3] =	sbarrier.arrive $0xFFFF;
	s2 =	simm.s32 @!p0 $0x1C03  }
0xd6: {  	[timem:s3], [sflag:s2] =	dma.local @!p0 [hbm:s0], s1  }
0xd7: {  	s0 =	simm.s32 @!p0 $0x3  }
0xd8: {  	_ =	swait.ge @!p0 [sflag:s0], s1  }
0xd9: {  	s1 =	ssub.s32 @!p0 $0x0, s1;
	[sflag:s0] =	ssyncset.done @!p0 $0x0  }
0xda: {  	[sflag:s0] =	ssyncadd.s32 @!p0 s1  }
0xdb: {  	[bflag:$0x3] =	sbarrier.arrive $0xFFFF  }
0xdc: {  	_ =	shalt  }

// kernel: kernel.9.cloned.1.call-start
scs
__scs_entry_jumppad:
0x0: {  	(pc) =	sbr.rel $0x88, $3  }
0x1: {  	(tag) =	ssettag $0x0;
	lr =	simm.s32 $0x1  }
0x2: {  	[smem:$0x3F97] =	sst lr;
	_ =	strace $0xD0000000  }
0x3: {  	_ = 	snop  }
0x4: {  	_ = 	snop  }
0x5: {  	_ = 	snop  }
0x6: {  	_ = 	snop  }
0x7: {  	_ = 	snop  }
__scs_overlays_trampoline_lowered:
0x8: {  	[smem:$0x3FA6] =	sst s0  }
0x9: {  	[smem:$0x3FA7] =	sst s1  }
0xa: {  	[smem:$0x3FA8] =	sst s2  }
0xb: {  	[smem:$0x3FA9] =	sst s3  }
0xc: {  	[smem:$0x3FAA] =	sst s4  }
0xd: {  	[smem:$0x3FAB] =	sst s5  }
0xe: {  	[smem:$0x3FAC] =	sst s6  }
0xf: {  	[smem:$0x3FAD] =	sst s7  }
0x10: {  	[smem:$0x3FAE] =	sst s8  }
0x11: {  	[smem:$0x3FAF] =	sst s9;
	s0 =	simm.s32 @!p0 $0x0  }
0x12: {  	s1 =	sld [smem:$0x3F95];
	s0 =	simm.s32 @p0 $0x1  }
0x13: {  	[smem:$0x3FB0] =	sst s0;
	s0 =	simm.s32 @!p1 $0x0  }
0x14: {  	s2 =	sld [smem:$0x3F94];
	s0 =	simm.s32 @p1 $0x1  }
0x15: {  	[smem:$0x3FB1] =	sst s0;
	s0 =	simm.s32 @!p2 $0x0  }
0x16: {  	s3 =	sld [smem:$0x3FDB];
	s0 =	simm.s32 @p2 $0x1  }
0x17: {  	s4 =	simm.s32 $0x1BF5;
	[smem:$0x3FB3] =	sst s0  }
0x18: {  	s0 =	sld [smem:$0x3F96];
	_ =	swait.ge [sflag:s4], $0x0  }
0x19: {  	s7 =	sld [smem:$0x3F97]  }
0x1a: {  	s8 =	sadd.s32 $0xFFFFE003, lr  }
0x1b: {  	s9 =	sadd.s32 $0xFFFFFEF7, lr;
	s5 =	simm.s32 $0xFFFFFFFF;
	p2 =	slt.u32 s8, $0xFFFFF086  }
0x1c: {  	p1 =	slt.u32 s9, $0xF7A;
	s5 =	simm.s32 @!p2 $0x0  }
0x1d: {  	s5 =	simm.s32 @p1 $0x1;
	p0 =	seq.s32 s7, s2  }
0x1e: {  	s7 =	smul.u32 @!p0 $0xF7A, s2;
	p2 =	seq.s32 @!p0 s5, $0x0  }
0x1f: {  	s9 =	smul.u32 $0xF7A, s1;
	s8 =	simm.s32 @!p0 $0x1BF5;
	p2 =	por !p2, p0  }
0x20: {  	[sflag:s8] =	ssyncset.s32 @!p0 $0xFFFFF086;
	s6 =	sadd.s32 @!p0 s3, s7;
	s7 =	simm.s32 @!p0 $0x108  }
0x21: {  	s3 =	sadd.s32 s3, s9;
	s6 =	sadd.s32 @!p0 $0x88, s6;
	s7 =	simm.s32 @p2 $0x1082  }
0x22: {  	[simem:s7], [sflag:s8] =	dma.local @!p0 [hbm:s6], $0xF7A  }
0x23: {  	s9 =	sor.u32 $0xD0000000, s2;
	s6 =	simm.s32 $0x108;
	_ =	swait.ge @!p0 [sflag:s8], $0x0  }
0x24: {  	s3 =	sadd.s32 $0x88, s3;
	s6 =	simm.s32 @!p1 $0x1082;
	[sflag:s4] =	ssyncset.s32 $0xFFFFF086  }
0x25: {  	[simem:s6], [sflag:s4] =	dma.local [hbm:s3], $0xF7A  }
0x26: {  	[smem:$0x3F97] =	sst s1;
	(tag) =	ssettag s2;
	_ =	strace s9  }
0x27: {  	s1 =	sld [smem:$0x3FA7]  }
0x28: {  	s2 =	sld [smem:$0x3FA8]  }
0x29: {  	s4 =	sld [smem:$0x3FAA]  }
0x2a: {  	p0 =	seq.s32 s5, $0x0;
	s5 =	sld [smem:$0x3FAB]  }
0x2b: {  	s6 =	sld [smem:$0x3FAC]  }
0x2c: {  	s7 =	sld [smem:$0x3FAD]  }
0x2d: {  	s3 =	simm.s32 $0x108;
	s8 =	sld [smem:$0x3FAE]  }
0x2e: {  	s3 =	simm.s32 @!p0 $0x1082;
	s9 =	sld [smem:$0x3FAF]  }
0x2f: {  	lr =	sadd.s32 s0, s3;
	s0 =	sld [smem:$0x3FA6]  }
0x30: {  	s3 =	sld [smem:$0x3FA9]  }
0x31: {  	[smem:$0x3FB2] =	sst s10  }
0x32: {  	s10 =	sld [smem:$0x3FB0];
	_ =	sdelay $0x3  }
0x33: {  	p0 =	seq.s32 s10, $0x1;
	s10 =	sld [smem:$0x3FB2];
	_ =	sdelay $0x3  }
0x34: {  	[smem:$0x3FB2] =	sst s10  }
0x35: {  	s10 =	sld [smem:$0x3FB1];
	_ =	sdelay $0x3  }
0x36: {  	p1 =	seq.s32 s10, $0x1;
	s10 =	sld [smem:$0x3FB2];
	_ =	sdelay $0x3  }
0x37: {  	[smem:$0x3FB2] =	sst s10  }
0x38: {  	s10 =	sld [smem:$0x3FB3]  }
0x39: {  	_ = 	snop;
	(pc) =	sbr.ind lr, $3  }
0x3a: {  	_ = 	snop  }
0x3b: {  	_ = 	snop  }
0x3c: {  	p2 =	seq.s32 s10, $0x1;
	s10 =	sld [smem:$0x3FB2]  }
0x3d: {  	_ =	shalt  }
0x3e: {  	_ =	shalt  }
0x3f: {  	_ =	shalt  }
0x40: {  	_ =	shalt  }
0x41: {  	_ =	shalt  }
0x42: {  	_ =	shalt  }
0x43: {  	_ =	shalt  }
0x44: {  	_ =	shalt  }
0x45: {  	_ =	shalt  }
0x46: {  	_ =	shalt  }
0x47: {  	_ =	shalt  }
0x48: {  	_ =	shalt  }
0x49: {  	_ =	shalt  }
0x4a: {  	_ =	shalt  }
0x4b: {  	_ =	shalt  }
0x4c: {  	_ =	shalt  }
0x4d: {  	_ =	shalt  }
0x4e: {  	_ =	shalt  }
0x4f: {  	_ =	shalt  }
0x50: {  	_ =	shalt  }
0x51: {  	_ =	shalt  }
0x52: {  	_ =	shalt  }
0x53: {  	_ =	shalt  }
0x54: {  	_ =	shalt  }
0x55: {  	_ =	shalt  }
0x56: {  	_ =	shalt  }
0x57: {  	_ =	shalt  }
0x58: {  	_ =	shalt  }
0x59: {  	_ =	shalt  }
0x5a: {  	_ =	shalt  }
0x5b: {  	_ =	shalt  }
0x5c: {  	_ =	shalt  }
0x5d: {  	_ =	shalt  }
0x5e: {  	_ =	shalt  }
0x5f: {  	_ =	shalt  }
0x60: {  	_ =	shalt  }
0x61: {  	_ =	shalt  }
0x62: {  	_ =	shalt  }
0x63: {  	_ =	shalt  }
0x64: {  	_ =	shalt  }
0x65: {  	_ =	shalt  }
0x66: {  	_ =	shalt  }
0x67: {  	_ =	shalt  }
0x68: {  	_ =	shalt  }
0x69: {  	_ =	shalt  }
0x6a: {  	_ =	shalt  }
0x6b: {  	_ =	shalt  }
0x6c: {  	_ =	shalt  }
0x6d: {  	_ =	shalt  }
0x6e: {  	_ =	shalt  }
0x6f: {  	_ =	shalt  }
0x70: {  	_ =	shalt  }
0x71: {  	_ =	shalt  }
0x72: {  	_ =	shalt  }
0x73: {  	_ =	shalt  }
0x74: {  	_ =	shalt  }
0x75: {  	_ =	shalt  }
0x76: {  	_ =	shalt  }
0x77: {  	_ =	shalt  }
0x78: {  	_ =	shalt  }
0x79: {  	_ =	shalt  }
0x7a: {  	_ =	shalt  }
0x7b: {  	_ =	shalt  }
0x7c: {  	_ =	shalt  }
0x7d: {  	_ =	shalt  }
0x7e: {  	_ =	shalt  }
0x7f: {  	_ =	shalt  }
0x80: {  	_ =	shalt  }
0x81: {  	_ =	shalt  }
0x82: {  	_ =	shalt  }
0x83: {  	_ =	shalt  }
0x84: {  	_ =	shalt  }
0x85: {  	_ =	shalt  }
0x86: {  	_ =	shalt  }
0x87: {  	_ =	shalt  }
.Lfunc_end0:
.L_simem_size_0:
called_computation_lowered:
.L_overlay_start_0:
0x88: {  	s2 =	sld [smem:$0x3FD9]  }
0x89: {  	s3 =	sld [smem:$0x3FFE];
	_ =	sdelay $0x1  }
0x8a: {  	s1 =	srdreg.scid  }
0x8b: {  	s0 =	sand.u32 $0x1, s1  }
0x8c: {  	s16 =	sshll.u32 s0, $0xA;
	s2 =	sadd.s32 s3, s2  }
0x8d: {  	s2 =	sadd.s32 s2, s16  }
0x8e: {  	[smem:$0x3FBE] =	sst s2  }
0x8f: {  	_ = 	snop  }
0x90: {  	(tm) =	ssettm $0x1  }
0x91: {  	s17 =	sld [smem:$0x3FFB];
	_ =	sdelay $0x3  }
0x92: {  	_ =	strace s17  }
0x93: {  	s2 =	sld [smem:$0x3FFC];
	_ =	sdelay $0x3  }
0x94: {  	_ =	strace s2  }
0x95: {  	s2 =	sld [smem:$0x3FFD];
	_ =	sdelay $0x3  }
0x96: {  	_ =	strace s2  }
0x97: {  	_ =	strace $0x8FFFFFFF  }
0x98: {  	s18 =	sld [smem:$0x3FDB];
	_ =	sdelay $0x1  }
0x99: {  	s19 =	simm.s32 $_scs_section_size  }
0x9a: {  	s4 =	simm.s32 $_size__tile_overlayer_lowered;
	s5 =	simm.s32 $_tile_overlayer_lowered  }
0x9b: {  	s22 =	simm.s32 $0x1BFF;
	s21 =	sshll.u32 s5, $0x1;
	s2 =	sadd.s32 s19, s18  }
0x9c: {  	s6 =	simm.s32 $0x0;
	s20 =	sshll.u32 s4, $0x1;
	s4 =	sadd.s32 s21, s2  }
0x9d: {  	[timem:s6], [sflag:s22] =	dma.local [hbm:s4], s20  }
0x9e: {  	_ =	swait.ge [sflag:s22], s20  }
0x9f: {  	s3 =	ssub.s32 $0x0, s20;
	[sflag:s22] =	ssyncset.done $0x0  }
0xa0: {  	[sflag:s22] =	ssyncadd.s32 s3;
	_ =	sdelay $0x1  }
0xa1: {  	s23 =	simm.s32 $0x1B8B  }
0xa2: {  	_ =	swait.ge [sflag:s23], $0x1  }
0xa3: {  	[sflag:s23] =	ssyncset.done $0x0  }
0xa4: {  	s25 =	simm.s32 $0x1B8E;
	s24 =	sld [smem:$0x3FFE];
	[sflag:s23] =	ssyncadd.s32 $0xFFFFFFFF  }
0xa5: {  	s26 =	simm.s32 $execute0_lowered;
	[smem:$0x3FD2] =	sst s25  }
0xa6: {  	s4 =	sshll.u32 s26, $0x1;
	_ =	strace $0x80000046;
	[dreg:$0x1] =	wrdreg $0xFFFFFFFF  }
0xa7: {  	s28 =	simm.s32 $_size_execute0_lowered;
	s2 =	sadd.s32 s2, s4;
	[dreg:$0x0] =	wrdreg $0x0  }
0xa8: {  	s4 =	sshll.u32 s28, $0x1;
	[dreg:$0x2] =	wrdreg s2  }
0xa9: {  	[dreg:$0x3] =	wrdreg s4  }
0xaa: {  	[dreg:$0x4] =	wrdreg $0xC0  }
0xab: {  	_ =	task [dreg:s6], $0x5FFFF  }
0xac: {  	[dreg:$0x1] =	wrdreg $0xFFFFFFFF  }
0xad: {  	[dreg:$0x0] =	wrdreg $0x60  }
0xae: {  	[dreg:$0x2] =	wrdreg s24  }
0xaf: {  	[dreg:$0x3] =	wrdreg $0x68000  }
0xb0: {  	[dreg:$0x4] =	wrdreg $0x9  }
0xb1: {  	_ =	task.clear_ibuf [dreg:s6], $0x5FFFF;
	_ =	strace $0x90000046  }
0xb2: {  	s29 =	simm.s32 $0x9;
	_ =	strace $0x80000048  }
0xb3: {  	_ =	swait.ge [sflag:s29], $0x1  }
0xb4: {  	[sflag:s29] =	ssyncadd.s32 $0xFFFFFFFF  }
0xb5: {  	_ =	strace $0x90000048  }
0xb6: {  	_ =	sfence  }
0xb7: {  	s30 =	sld [smem:$0x0];
	_ =	sdelay $0x2  }
0xb8: {  	s31 =	sshll.u32 s1, $0xD;
	s1 =	sshrl.u32 s1, $0x2  }
0xb9: {  	s3 =	sand.u32 $0x4000, s31;
	s1 =	sadd.s32 s1, s30  }
0xba: {  	s0 =	sor.u32 s3, s0;
	s1 =	sshll.u32 s1, $0x11  }
0xbb: {  	s0 =	sor.u32 s1, s0  }
0xbc: {  	s0 =	sadd.s32 $0x8F2B, s0  }
0xbd: {  	[sflag:s0] =	ssyncadd.remote.s32 $0x1  }
0xbe: {  	_ =	sfence.sel $0xFFFF  }
0xbf: {  	[dreg:$0x0] =	wrdreg $0xFFFFFFFF;
	(pc) =	sbr.abs _section_cstart, $3  }
0xc0: {  	[dreg:$0x1] =	wrdreg $0xFFFFFFFF  }
0xc1: {  	_ =	task.clear_ibuf [dreg:s6], $0x2FFFF;
	_ =	strace $0x9FFFFFFF  }
0xc2: {  	(tm) =	ssettm $0x7FFFFFFF  }
0xc3: {  	_ =	shalt  }
tec
execute0_lowered:
.L_overlay_start_1:
0x0: {  	(tag) =	ssettag $0x1  }
0x1: {  	s1 =	srdreg.scid;
	s5 =	rddreg [dreg:$0x0]  }
0x2: {  	s0 =	stileid.u32;
	s2 =	rddreg [dreg:$0x1]  }
0x3: {  	s3 =	simm.s32 $0x0;
	s13 =	simm.s32 $0x1;
	s14 =	simm.s32 $0x80  }
0x4: {  	s4 =	sand.u32 $0x1, s1;
	s26 =	sshll.u32 s0, $0x1;
	s8 =	smul.u32 $0x14000, s0  }
0x5: {  	[smem:$0x7FF] =	sst s3;
	s9 =	smul.u32 $0x50000, s0;
	s15 =	sshll.u32 s0, $0x6  }
0x6: {  	s1 =	sor.u32 s4, s26;
	s7 =	smul.u32 $0x140000, s4;
	s29 =	ssub.s32 $0x2, s4  }
0x7: {  	s15 =	sor.u32 $0x1C01, s15;
	s6 =	smul.u32 $0x500, s1;
	s1 =	rddreg [dreg:$0x2]  }
0x8: {  	_ =	strace $0x80000047;
	s30 =	sshrl.u32 s9, $0x2;
	s31 =	sshrl.u32 s29, $0x1  }
0x9: {  	s28 =	sadd.s32 s8, s7;
	s4 =	sadd.s32 s30, s2;
	s12 =	ssub.s32 s29, s31  }
0xa: {  	s10 =	sadd.s32 s6, s5;
	s6 =	sshrl.u32 s28, $0x3;
	s7 =	sadd.s32 $0xC000, s4  }
0xb: {  	s8 =	sadd.s32 $0x10000, s4;
	s16 =	sshrl.u32 s4, $0x3;
	s11 =	sadd.s32 s6, s5  }
0xc: {  	s5 =	sadd.s32 $0x4000, s4;
	s6 =	sadd.s32 $0x8000, s4;
	s9 =	sadd.s32 $0x2600, s10  }
0xd: {  	v0 =	vimm.f32 $0.0e+00;
	v1 =	vimm.f32 $1.000000000e+00;
	s10 =	sadd.s32 $0xC600, s11;
	s11 =	smax.u32 s12, $0x1;
	s12 =	simm.s32 $0x2800  }
.LBB2_1:
0xe: {  	s17 =	simm.s32 $0x0;
	s18 =	simm.s32 $0x200  }
.LBB2_2:
0xf: {  	p0 =	sne.s32 s18, $0xFE00;
	[tilespmem:s17+$0x2870] =	vst v0  }
0x10: {  	[tilespmem:s17+$0x2800] =	vst v0  }
0x11: {  	[tilespmem:s17+$0x2810] =	vst v0  }
.Ltmp0:
0x12: {  	[tilespmem:s17+$0x2820] =	vst v0;
	(pc) =	sbr.rel @p0 .LBB2_2-.Ltmp0, $4  }
0x13: {  	[tilespmem:s17+$0x2830] =	vst v0  }
0x14: {  	[tilespmem:s17+$0x2840] =	vst v0  }
0x15: {  	[tilespmem:s17+$0x2850] =	vst v0  }
0x16: {  	[tilespmem:s17+$0x2860] =	vst v0;
	s17 =	sshra.s32 s18, $0x2;
	s18 =	sadd.s32 $0x200, s18  }
0x17: {  	[tilespmem:s17+$0x2870] =	vst v0  }
0x18: {  	[tilespmem:s17+$0x2800] =	vst v0  }
0x19: {  	[tilespmem:s17+$0x2810] =	vst v0  }
0x1a: {  	[tilespmem:s17+$0x2820] =	vst v0  }
0x1b: {  	[tilespmem:s17+$0x2830] =	vst v0  }
0x1c: {  	[tilespmem:s17+$0x2840] =	vst v0  }
0x1d: {  	[tilespmem:s17+$0x2850] =	vst v0  }
0x1e: {  	[tilespmem:s17+$0x2860] =	vst v0  }
0x1f: {  	[spmem:s4] =	stream.linear.scatter [tilespmem:s12], [sflag:$0x1], $0x4000, $0x38;
	[tilespmem:$0x1A800] =	vst v63  }
0x20: {  	_ =	swait.ge [sflag:s13], $0x4000  }
0x21: {  	[sflag:s13] =	ssyncset.done $0x0  }
0x22: {  	[sflag:s13] =	ssyncadd.s32 $0xFFFFC000  }
0x23: {  	[spmem:s5] =	stream.linear.scatter [tilespmem:s12], [sflag:$0x1], $0x4000, $0x38;
	[tilespmem:$0x1A800] =	vst v63  }
0x24: {  	_ =	swait.ge [sflag:s13], $0x4000  }
0x25: {  	[sflag:s13] =	ssyncset.done $0x0  }
0x26: {  	[sflag:s13] =	ssyncadd.s32 $0xFFFFC000  }
0x27: {  	[spmem:s6] =	stream.linear.scatter [tilespmem:s12], [sflag:$0x1], $0x4000, $0x38;
	[tilespmem:$0x1A800] =	vst v63  }
0x28: {  	_ =	swait.ge [sflag:s13], $0x4000  }
0x29: {  	[sflag:s13] =	ssyncset.done $0x0  }
0x2a: {  	[sflag:s13] =	ssyncadd.s32 $0xFFFFC000  }
0x2b: {  	[spmem:s7] =	stream.linear.scatter [tilespmem:s12], [sflag:$0x1], $0x4000, $0x38;
	[tilespmem:$0x1A800] =	vst v63  }
0x2c: {  	_ =	swait.ge [sflag:s13], $0x4000  }
0x2d: {  	[sflag:s13] =	ssyncset.done $0x0  }
0x2e: {  	[sflag:s13] =	ssyncadd.s32 $0xFFFFC000  }
0x2f: {  	[spmem:s8] =	stream.linear.scatter [tilespmem:s12], [sflag:$0x1], $0x4000, $0x38;
	[tilespmem:$0x1A800] =	vst v63  }
0x30: {  	_ =	swait.ge [sflag:s13], $0x4000  }
0x31: {  	[sflag:s13] =	ssyncset.done $0x0  }
0x32: {  	s17 =	simm.s32 $0x0;
	s18 =	simm.s32 $0x200;
	[sflag:s13] =	ssyncadd.s32 $0xFFFFC000  }
.LBB2_4:
0x33: {  	p0 =	sne.s32 s18, $0xFE00;
	[tilespmem:s17+$0x2870] =	vst v1  }
0x34: {  	[tilespmem:s17+$0x2800] =	vst v1  }
0x35: {  	[tilespmem:s17+$0x2810] =	vst v1  }
.Ltmp1:
0x36: {  	[tilespmem:s17+$0x2820] =	vst v1;
	(pc) =	sbr.rel @p0 .LBB2_4-.Ltmp1, $4  }
0x37: {  	[tilespmem:s17+$0x2830] =	vst v1  }
0x38: {  	[tilespmem:s17+$0x2840] =	vst v1  }
0x39: {  	[tilespmem:s17+$0x2850] =	vst v1  }
0x3a: {  	[tilespmem:s17+$0x2860] =	vst v1;
	s17 =	sshra.s32 s18, $0x2;
	s18 =	sadd.s32 $0x200, s18  }
0x3b: {  	[tilespmem:s17+$0x2870] =	vst v1  }
0x3c: {  	[tilespmem:s17+$0x2800] =	vst v1  }
0x3d: {  	[tilespmem:s17+$0x2810] =	vst v1  }
0x3e: {  	[tilespmem:s17+$0x2820] =	vst v1  }
0x3f: {  	[tilespmem:s17+$0x2830] =	vst v1  }
0x40: {  	[tilespmem:s17+$0x2840] =	vst v1  }
0x41: {  	[tilespmem:s17+$0x2850] =	vst v1  }
0x42: {  	[tilespmem:s17+$0x2860] =	vst v1;
	s30 =	simm.s32 $0x0  }
0x43: {  	[tilespmem:s30], [sflag:$0x1] =	stream.linear.gather [hbm4b:s9+s30], $0x2800, $0x38;
	[tilespmem:$0x1A800] =	vst v63  }
0x44: {  	_ =	swait.ge [sflag:s13], $0x2800  }
0x45: {  	[sflag:s13] =	ssyncset.done $0x0  }
0x46: {  	[sflag:s13] =	ssyncadd.s32 $0xFFFFD800  }
0x47: {  	s31 =	simm.s32 $0x0;
	[bflag:$0x0] =	sbarrier.arrive $0xFFFF  }
0x48: {  	[spmem:s2] =	stream.indirect.scatter.add.f32 [tilespmem:s12], [sflag:$0x1], $0x80, s31, s14, $0xb8;
	[tilespmem:$0x1A800] =	vst v63  }
0x49: {  	_ =	swait.ge [sflag:s13], $0x4000  }
0x4a: {  	s17 =	simm.s32 $0x200;
	[sflag:s13] =	ssyncset.done $0x0  }
.LBB2_6:
0x4b: {  	s18 =	sshra.s32 s17, $0x2;
	[sflag:s13] =	ssyncadd.s32 $0xFFFFC000;
	p0 =	sne.s32 s17, $0x9E00  }
0x4c: {  	[spmem:s2] =	stream.indirect.scatter.add.f32 [tilespmem:s12], [sflag:$0x1], $0x80, s18, s14, $0xb8;
	[tilespmem:$0x1A800] =	vst v63  }
.Ltmp2:
0x4d: {  	_ = 	snop;
	(pc) =	sbr.rel @p0 .LBB2_6-.Ltmp2, $4  }
0x4e: {  	_ = 	snop  }
0x4f: {  	s17 =	sadd.s32 $0x200, s17  }
0x50: {  	_ =	swait.ge [sflag:s13], $0x4000  }
0x51: {  	[sflag:s13] =	ssyncset.done $0x0  }
0x52: {  	s3 =	sadd.s32 $0x1, s3  }
0x53: {  	[sflag:s13] =	ssyncadd.s32 $0xFFFFC000;
	p0 =	sne.s32 s3, s11  }
.Ltmp3:
0x54: {  	[bflag:$0x0] =	sbarrier.arrive $0xFFFF;
	(pc) =	sbr.rel @p0 .LBB2_1-.Ltmp3, $4  }
0x55: {  	[hbm:s10], [sflag:s15] =	dma.local [spmem:s16], $0x2800  }
0x56: {  	_ =	swait.ge [sflag:s13], $0x2800  }
0x57: {  	[sflag:s13] =	ssyncset.done $0x0  }
0x58: {  	[sflag:s13] =	ssyncadd.s32 $0xFFFFD800  }
0x59: {  	_ =	sfence.sel $0x180000  }
0x5a: {  	[bflag:$0x0] =	sbarrier.arrive $0xFFFF  }
0x5b: {  	p0 =	sne.s32 s0, $0x0;
	_ =	strace $0x90000047  }
0x5c: {  	s0 =	sadd.s32 @!p0 $0x100000, s1;
	[bflag:$0x2] =	sbarrier.arrive $0xFFFF  }
0x5d: {  	[sflag:s0] =	ssyncadd.tile.s32 @!p0 $0x1;
	_ =	shalt  }
.Lfunc_end2:
_tile_overlayer_lowered:
.L_overlay_start_2:
0x5e: {  	(tag) =	ssettag $0x2  }
0x5f: {  	s0 =	rddreg [dreg:$0x0];
	s2 =	stileid.u32  }
0x60: {  	s1 =	rddreg [dreg:$0x1];
	p0 =	sne.s32 s2, $0x0  }
0x61: {  	s3 =	rddreg [dreg:$0x2];
	[bflag:$0x3] =	sbarrier.arrive $0xFFFF;
	s2 =	simm.s32 @!p0 $0x1C01  }
0x62: {  	[timem:s3], [sflag:s2] =	dma.local @!p0 [hbm:s0], s1  }
0x63: {  	s0 =	simm.s32 @!p0 $0x1  }
0x64: {  	_ =	swait.ge @!p0 [sflag:s0], s1  }
0x65: {  	s1 =	ssub.s32 @!p0 $0x0, s1;
	[sflag:s0] =	ssyncset.done @!p0 $0x0  }
0x66: {  	[sflag:s0] =	ssyncadd.s32 @!p0 s1  }
0x67: {  	[bflag:$0x3] =	sbarrier.arrive $0xFFFF  }
0x68: {  	_ =	shalt  }

</sc_bundles>
